<compile_context>
chip_gen: v7x
topology: tpu7x:2x2x1
jax: 0.10.2.dev20260603
libtpu: 0.0.44.dev20260713+nightly
codegen_flags: <defaults>
</compile_context>

<pallas_src>
import functools

import jax
import jax.numpy as jnp
from jax import lax
from jax.experimental import pallas as pl
from jax.experimental.pallas import tpu as pltpu
from jax.experimental.pallas import tpu_sc as plsc

_P = 512
_NC = 2
_NS = 16
_WIN = 552
_FILL = 136
_E2_ROWS = _WIN + _FILL


def _sc_kernel(table_hbm, out_hbm, spmem, tilebuf, sem, *, len_q, len_k, hidden):
    c = lax.axis_index("c")
    s = lax.axis_index("s")
    wid = s * _NC + c
    h = hidden

    n_real = _WIN - 8
    chunk = n_real // 8
    for st in range(8):
        r0 = 480 + chunk * st

        @pl.when(s == st)
        def _stage(r0=r0):
            cp = pltpu.make_async_copy(
                table_hbm.at[pl.ds(r0 * h, chunk * h)],
                tilebuf.at[pl.ds(0, chunk * h)],
                sem,
            )
            cp.start()
            cp.wait()
            cp2 = pltpu.make_async_copy(
                tilebuf.at[pl.ds(0, chunk * h)],
                spmem.at[pl.ds((r0 - 480) * h, chunk * h)],
                sem,
            )
            cp2.start()
            cp2.wait()

    @pl.when(s == 8)
    def _stage_clip():
        cp = pltpu.make_async_copy(
            table_hbm.at[pl.ds(2 * _P * h, 8 * h)],
            tilebuf.at[pl.ds(0, 8 * h)],
            sem,
        )
        cp.start()
        cp.wait()
        row = [tilebuf[pl.ds(16 * v, 16)] for v in range(h // 16)]

        def body(r, _):
            for v, vec in enumerate(row):
                tilebuf[pl.ds(r * h + 16 * v, 16)] = vec
            return 0

        lax.fori_loop(1, _FILL // 2, body, 0)
        for half in range(2):
            cp3 = pltpu.make_async_copy(
                tilebuf.at[pl.ds(0, _FILL // 2 * h)],
                spmem.at[pl.ds((n_real + _FILL // 2 * half) * h, _FILL // 2 * h)],
                sem,
            )
            cp3.start()
            cp3.wait()

    plsc.subcore_barrier()

    shift = len_q - wid
    copies = [
        pltpu.make_async_copy(
            spmem.at[pl.ds(shift * h, _WIN * h)],
            out_hbm.at[pl.ds(wid * len_k * h, _WIN * h)],
            sem,
        )
    ]
    for kk in range((len_k - _WIN) // _FILL):
        copies.append(
            pltpu.make_async_copy(
                spmem.at[pl.ds(n_real * h, _FILL * h)],
                out_hbm.at[pl.ds((wid * len_k + _WIN + _FILL * kk) * h, _FILL * h)],
                sem,
            )
        )
    for cp in copies:
        cp.start()
    for cp in copies:
        cp.wait()


def kernel(q, k, embeddings_table):
    len_q = q.shape[1]
    len_k = k.shape[1]
    hidden = embeddings_table.shape[1]
    mesh = plsc.VectorSubcoreMesh(
        core_axis_name="c", subcore_axis_name="s", num_cores=_NC, num_subcores=_NS
    )
    body = functools.partial(
        _sc_kernel, len_q=len_q, len_k=len_k, hidden=hidden
    )
    table_p = jnp.pad(embeddings_table, ((0, 7), (0, 0))).reshape(-1)
    flat = pl.kernel(
        body,
        out_type=jax.ShapeDtypeStruct((len_q * len_k * hidden,), jnp.float32),
        mesh=mesh,
        scratch_types=[
            pltpu.VMEM_SHARED((_E2_ROWS * hidden,), jnp.float32),
            pltpu.VMEM((_FILL // 2 * hidden,), jnp.float32),
            pltpu.SemaphoreType.DMA,
        ],
    )(table_p)
    return flat.reshape(len_q, len_k, hidden)

# --- scband reference (transcript-rebuilt; emitter-appended) ---
"""Pipeline reference for scband-relative-positional-encoding-76794015252715 (READ-ONLY COPY).

The authoritative reference and input builder live on the scoring server;
editing this copy changes nothing except your own understanding.
"""

import jax, jax.numpy as jnp
import numpy as np

MAX_POSITION = 512
HIDDEN = 768

def setup_inputs(seed: int = 0) -> dict:
    key = jax.random.key(seed)
    k1, k2, k3 = jax.random.split(key, 3)
    q = jax.random.normal(k1, (16, 32, HIDDEN), dtype=jnp.float32)
    k = jax.random.normal(k2, (16, 2048, HIDDEN), dtype=jnp.float32)
    n_rows = MAX_POSITION * 2 + 1
    limit = float(np.sqrt(6.0 / (n_rows + HIDDEN)))
    embeddings_table = jax.random.uniform(k3, (n_rows, HIDDEN), dtype=jnp.float32, minval=-limit, maxval=limit)
    return {"q": q, "k": k, "embeddings_table": embeddings_table}

def reference(q, k, embeddings_table):
    len_q = q.shape[1]
    len_k = k.shape[1]
    range_vec_q = jnp.arange(len_q)
    range_vec_k = jnp.arange(len_k)
    relative_matrix = range_vec_k[None, :] - range_vec_q[:, None]
    clipped_relative_matrix = jnp.clip(relative_matrix, -MAX_POSITION, MAX_POSITION)
    relative_position_matrix = clipped_relative_matrix + MAX_POSITION
    embeddings = jnp.take(embeddings_table, relative_position_matrix, axis=0)
    return embeddings

if __name__ == "__main__":
    import jax
    _d = setup_inputs()
    print(jax.jit(kernel)(*tuple(_d.values())))

</pallas_src>

<mosaic_0001>
#map = affine_map<(d0, d1) -> (0)>
module attributes {stable_mosaic.version = 14 : i64} {
  func.func @_sc_kernel(%arg0: i32, %arg1: i32, %arg2: memref<792576xf32, #tpu.memory_space<hbm>>, %arg3: memref<50331648xf32, #tpu.memory_space<hbm>>, %arg4: memref<528384xf32, #tpu.memory_space<vmem_shared>>, %arg5: memref<52224xf32, #tpu.memory_space<vmem>>, %arg6: memref<!tpu.dma_semaphore, #tpu.memory_space<semaphore_mem>>) attributes {dimension_semantics = [#tpu.dimension_semantics<core_parallel>, #tpu.dimension_semantics<subcore_parallel>], iteration_bounds = array<i64: 2, 16>, scalar_prefetch = 0 : i64, scratch_operands = 3 : i64, tpu.core_type = #tpu.core_type<sc_vector_subcore>, window_params = [{transform_indices = #map}, {transform_indices = #map}]} {
    %mul3A = arith.constant 2 : i32
    %mul3A_0 = arith.muli %arg1, %mul3A : i32
    %add3A = arith.addi %mul3A_0, %arg0 : i32
    %eq3A = arith.constant 0 : i32
    %eq3A_1 = arith.cmpi eq, %arg1, %eq3A : i32
    %convert_element_type3A = arith.extui %eq3A_1 : i1 to i32
    %cond3A = arith.constant 0 : i32
    %cond3A_2 = arith.cmpi ne, %convert_element_type3A, %cond3A : i32
    scf.if %cond3A_2 {
      %dma_start3A_206 = arith.constant 0 : i32
      %dma_start3A_207 = tpu.memref_slice %arg5[%dma_start3A_206] : memref<52224xf32, #tpu.memory_space<vmem>> -> memref<52224xf32, #tpu.memory_space<vmem>>
      %dma_start3A_208 = arith.constant 368640 : i32
      %dma_start3A_209 = tpu.memref_slice %arg2[%dma_start3A_208] : memref<792576xf32, #tpu.memory_space<hbm>> -> memref<52224xf32, #tpu.memory_space<hbm>>
      %dma_start3A_210 = arith.constant 0 : i32
      %dma_start3A_211 = tpu.memref_slice %arg5[%dma_start3A_210] : memref<52224xf32, #tpu.memory_space<vmem>> -> memref<52224xf32, #tpu.memory_space<vmem>>
      %dma_start3A_212 = arith.constant 368640 : i32
      %dma_start3A_213 = tpu.memref_slice %arg2[%dma_start3A_212] : memref<792576xf32, #tpu.memory_space<hbm>> -> memref<52224xf32, #tpu.memory_space<hbm>>
      tpu.enqueue_dma source(%dma_start3A_213 : memref<52224xf32, #tpu.memory_space<hbm>>) target(%dma_start3A_211 : memref<52224xf32, #tpu.memory_space<vmem>>) target_semaphore(%arg6 : memref<!tpu.dma_semaphore, #tpu.memory_space<semaphore_mem>>)
      %dma_wait3A_214 = arith.constant 0 : i32
      %dma_wait3A_215 = tpu.memref_slice %arg5[%dma_wait3A_214] : memref<52224xf32, #tpu.memory_space<vmem>> -> memref<52224xf32, #tpu.memory_space<vmem>>
      %dma_wait3A_216 = arith.constant 368640 : i32
      %dma_wait3A_217 = tpu.memref_slice %arg2[%dma_wait3A_216] : memref<792576xf32, #tpu.memory_space<hbm>> -> memref<52224xf32, #tpu.memory_space<hbm>>
      %dma_wait3A_218 = arith.constant 0 : i32
      %dma_wait3A_219 = tpu.memref_slice %arg5[%dma_wait3A_218] : memref<52224xf32, #tpu.memory_space<vmem>> -> memref<52224xf32, #tpu.memory_space<vmem>>
      %dma_wait3A_220 = arith.constant 368640 : i32
      %dma_wait3A_221 = tpu.memref_slice %arg2[%dma_wait3A_220] : memref<792576xf32, #tpu.memory_space<hbm>> -> memref<52224xf32, #tpu.memory_space<hbm>>
      tpu.wait_dma2 semaphore(%arg6 : memref<!tpu.dma_semaphore, #tpu.memory_space<semaphore_mem>>) src(%dma_wait3A_221 : memref<52224xf32, #tpu.memory_space<hbm>>) dst(%dma_wait3A_219 : memref<52224xf32, #tpu.memory_space<vmem>>)
      %dma_start3A_222 = arith.constant 0 : i32
      %dma_start3A_223 = tpu.memref_slice %arg5[%dma_start3A_222] : memref<52224xf32, #tpu.memory_space<vmem>> -> memref<52224xf32, #tpu.memory_space<vmem>>
      %dma_start3A_224 = arith.constant 0 : i32
      %dma_start3A_225 = tpu.memref_slice %arg4[%dma_start3A_224] : memref<528384xf32, #tpu.memory_space<vmem_shared>> -> memref<52224xf32, #tpu.memory_space<vmem_shared>>
      %dma_start3A_226 = arith.constant 0 : i32
      %dma_start3A_227 = tpu.memref_slice %arg4[%dma_start3A_226] : memref<528384xf32, #tpu.memory_space<vmem_shared>> -> memref<52224xf32, #tpu.memory_space<vmem_shared>>
      %dma_start3A_228 = arith.constant 0 : i32
      %dma_start3A_229 = tpu.memref_slice %arg5[%dma_start3A_228] : memref<52224xf32, #tpu.memory_space<vmem>> -> memref<52224xf32, #tpu.memory_space<vmem>>
      tpu.enqueue_dma source(%dma_start3A_229 : memref<52224xf32, #tpu.memory_space<vmem>>) target(%dma_start3A_227 : memref<52224xf32, #tpu.memory_space<vmem_shared>>) target_semaphore(%arg6 : memref<!tpu.dma_semaphore, #tpu.memory_space<semaphore_mem>>)
      %dma_wait3A_230 = arith.constant 0 : i32
      %dma_wait3A_231 = tpu.memref_slice %arg5[%dma_wait3A_230] : memref<52224xf32, #tpu.memory_space<vmem>> -> memref<52224xf32, #tpu.memory_space<vmem>>
      %dma_wait3A_232 = arith.constant 0 : i32
      %dma_wait3A_233 = tpu.memref_slice %arg4[%dma_wait3A_232] : memref<528384xf32, #tpu.memory_space<vmem_shared>> -> memref<52224xf32, #tpu.memory_space<vmem_shared>>
      %dma_wait3A_234 = arith.constant 0 : i32
      %dma_wait3A_235 = tpu.memref_slice %arg4[%dma_wait3A_234] : memref<528384xf32, #tpu.memory_space<vmem_shared>> -> memref<52224xf32, #tpu.memory_space<vmem_shared>>
      %dma_wait3A_236 = arith.constant 0 : i32
      %dma_wait3A_237 = tpu.memref_slice %arg5[%dma_wait3A_236] : memref<52224xf32, #tpu.memory_space<vmem>> -> memref<52224xf32, #tpu.memory_space<vmem>>
      tpu.wait_dma2 semaphore(%arg6 : memref<!tpu.dma_semaphore, #tpu.memory_space<semaphore_mem>>) src(%dma_wait3A_237 : memref<52224xf32, #tpu.memory_space<vmem>>) dst(%dma_wait3A_235 : memref<52224xf32, #tpu.memory_space<vmem_shared>>)
    } else {
    }
    %eq3A_3 = arith.constant 1 : i32
    %eq3A_4 = arith.cmpi eq, %arg1, %eq3A_3 : i32
    %convert_element_type3A_5 = arith.extui %eq3A_4 : i1 to i32
    %cond3A_6 = arith.constant 0 : i32
    %cond3A_7 = arith.cmpi ne, %convert_element_type3A_5, %cond3A_6 : i32
    scf.if %cond3A_7 {
      %dma_start3A_206 = arith.constant 0 : i32
      %dma_start3A_207 = tpu.memref_slice %arg5[%dma_start3A_206] : memref<52224xf32, #tpu.memory_space<vmem>> -> memref<52224xf32, #tpu.memory_space<vmem>>
      %dma_start3A_208 = arith.constant 420864 : i32
      %dma_start3A_209 = tpu.memref_slice %arg2[%dma_start3A_208] : memref<792576xf32, #tpu.memory_space<hbm>> -> memref<52224xf32, #tpu.memory_space<hbm>>
      %dma_start3A_210 = arith.constant 0 : i32
      %dma_start3A_211 = tpu.memref_slice %arg5[%dma_start3A_210] : memref<52224xf32, #tpu.memory_space<vmem>> -> memref<52224xf32, #tpu.memory_space<vmem>>
      %dma_start3A_212 = arith.constant 420864 : i32
      %dma_start3A_213 = tpu.memref_slice %arg2[%dma_start3A_212] : memref<792576xf32, #tpu.memory_space<hbm>> -> memref<52224xf32, #tpu.memory_space<hbm>>
      tpu.enqueue_dma source(%dma_start3A_213 : memref<52224xf32, #tpu.memory_space<hbm>>) target(%dma_start3A_211 : memref<52224xf32, #tpu.memory_space<vmem>>) target_semaphore(%arg6 : memref<!tpu.dma_semaphore, #tpu.memory_space<semaphore_mem>>)
      %dma_wait3A_214 = arith.constant 0 : i32
      %dma_wait3A_215 = tpu.memref_slice %arg5[%dma_wait3A_214] : memref<52224xf32, #tpu.memory_space<vmem>> -> memref<52224xf32, #tpu.memory_space<vmem>>
      %dma_wait3A_216 = arith.constant 420864 : i32
      %dma_wait3A_217 = tpu.memref_slice %arg2[%dma_wait3A_216] : memref<792576xf32, #tpu.memory_space<hbm>> -> memref<52224xf32, #tpu.memory_space<hbm>>
      %dma_wait3A_218 = arith.constant 0 : i32
      %dma_wait3A_219 = tpu.memref_slice %arg5[%dma_wait3A_218] : memref<52224xf32, #tpu.memory_space<vmem>> -> memref<52224xf32, #tpu.memory_space<vmem>>
      %dma_wait3A_220 = arith.constant 420864 : i32
      %dma_wait3A_221 = tpu.memref_slice %arg2[%dma_wait3A_220] : memref<792576xf32, #tpu.memory_space<hbm>> -> memref<52224xf32, #tpu.memory_space<hbm>>
      tpu.wait_dma2 semaphore(%arg6 : memref<!tpu.dma_semaphore, #tpu.memory_space<semaphore_mem>>) src(%dma_wait3A_221 : memref<52224xf32, #tpu.memory_space<hbm>>) dst(%dma_wait3A_219 : memref<52224xf32, #tpu.memory_space<vmem>>)
      %dma_start3A_222 = arith.constant 0 : i32
      %dma_start3A_223 = tpu.memref_slice %arg5[%dma_start3A_222] : memref<52224xf32, #tpu.memory_space<vmem>> -> memref<52224xf32, #tpu.memory_space<vmem>>
      %dma_start3A_224 = arith.constant 52224 : i32
      %dma_start3A_225 = tpu.memref_slice %arg4[%dma_start3A_224] : memref<528384xf32, #tpu.memory_space<vmem_shared>> -> memref<52224xf32, #tpu.memory_space<vmem_shared>>
      %dma_start3A_226 = arith.constant 52224 : i32
      %dma_start3A_227 = tpu.memref_slice %arg4[%dma_start3A_226] : memref<528384xf32, #tpu.memory_space<vmem_shared>> -> memref<52224xf32, #tpu.memory_space<vmem_shared>>
      %dma_start3A_228 = arith.constant 0 : i32
      %dma_start3A_229 = tpu.memref_slice %arg5[%dma_start3A_228] : memref<52224xf32, #tpu.memory_space<vmem>> -> memref<52224xf32, #tpu.memory_space<vmem>>
      tpu.enqueue_dma source(%dma_start3A_229 : memref<52224xf32, #tpu.memory_space<vmem>>) target(%dma_start3A_227 : memref<52224xf32, #tpu.memory_space<vmem_shared>>) target_semaphore(%arg6 : memref<!tpu.dma_semaphore, #tpu.memory_space<semaphore_mem>>)
      %dma_wait3A_230 = arith.constant 0 : i32
      %dma_wait3A_231 = tpu.memref_slice %arg5[%dma_wait3A_230] : memref<52224xf32, #tpu.memory_space<vmem>> -> memref<52224xf32, #tpu.memory_space<vmem>>
      %dma_wait3A_232 = arith.constant 52224 : i32
      %dma_wait3A_233 = tpu.memref_slice %arg4[%dma_wait3A_232] : memref<528384xf32, #tpu.memory_space<vmem_shared>> -> memref<52224xf32, #tpu.memory_space<vmem_shared>>
      %dma_wait3A_234 = arith.constant 52224 : i32
      %dma_wait3A_235 = tpu.memref_slice %arg4[%dma_wait3A_234] : memref<528384xf32, #tpu.memory_space<vmem_shared>> -> memref<52224xf32, #tpu.memory_space<vmem_shared>>
      %dma_wait3A_236 = arith.constant 0 : i32
      %dma_wait3A_237 = tpu.memref_slice %arg5[%dma_wait3A_236] : memref<52224xf32, #tpu.memory_space<vmem>> -> memref<52224xf32, #tpu.memory_space<vmem>>
      tpu.wait_dma2 semaphore(%arg6 : memref<!tpu.dma_semaphore, #tpu.memory_space<semaphore_mem>>) src(%dma_wait3A_237 : memref<52224xf32, #tpu.memory_space<vmem>>) dst(%dma_wait3A_235 : memref<52224xf32, #tpu.memory_space<vmem_shared>>)
    } else {
    }
    %eq3A_8 = arith.constant 2 : i32
    %eq3A_9 = arith.cmpi eq, %arg1, %eq3A_8 : i32
    %convert_element_type3A_10 = arith.extui %eq3A_9 : i1 to i32
    %cond3A_11 = arith.constant 0 : i32
    %cond3A_12 = arith.cmpi ne, %convert_element_type3A_10, %cond3A_11 : i32
    scf.if %cond3A_12 {
      %dma_start3A_206 = arith.constant 0 : i32
      %dma_start3A_207 = tpu.memref_slice %arg5[%dma_start3A_206] : memref<52224xf32, #tpu.memory_space<vmem>> -> memref<52224xf32, #tpu.memory_space<vmem>>
      %dma_start3A_208 = arith.constant 473088 : i32
      %dma_start3A_209 = tpu.memref_slice %arg2[%dma_start3A_208] : memref<792576xf32, #tpu.memory_space<hbm>> -> memref<52224xf32, #tpu.memory_space<hbm>>
      %dma_start3A_210 = arith.constant 0 : i32
      %dma_start3A_211 = tpu.memref_slice %arg5[%dma_start3A_210] : memref<52224xf32, #tpu.memory_space<vmem>> -> memref<52224xf32, #tpu.memory_space<vmem>>
      %dma_start3A_212 = arith.constant 473088 : i32
      %dma_start3A_213 = tpu.memref_slice %arg2[%dma_start3A_212] : memref<792576xf32, #tpu.memory_space<hbm>> -> memref<52224xf32, #tpu.memory_space<hbm>>
      tpu.enqueue_dma source(%dma_start3A_213 : memref<52224xf32, #tpu.memory_space<hbm>>) target(%dma_start3A_211 : memref<52224xf32, #tpu.memory_space<vmem>>) target_semaphore(%arg6 : memref<!tpu.dma_semaphore, #tpu.memory_space<semaphore_mem>>)
      %dma_wait3A_214 = arith.constant 0 : i32
      %dma_wait3A_215 = tpu.memref_slice %arg5[%dma_wait3A_214] : memref<52224xf32, #tpu.memory_space<vmem>> -> memref<52224xf32, #tpu.memory_space<vmem>>
      %dma_wait3A_216 = arith.constant 473088 : i32
      %dma_wait3A_217 = tpu.memref_slice %arg2[%dma_wait3A_216] : memref<792576xf32, #tpu.memory_space<hbm>> -> memref<52224xf32, #tpu.memory_space<hbm>>
      %dma_wait3A_218 = arith.constant 0 : i32
      %dma_wait3A_219 = tpu.memref_slice %arg5[%dma_wait3A_218] : memref<52224xf32, #tpu.memory_space<vmem>> -> memref<52224xf32, #tpu.memory_space<vmem>>
      %dma_wait3A_220 = arith.constant 473088 : i32
      %dma_wait3A_221 = tpu.memref_slice %arg2[%dma_wait3A_220] : memref<792576xf32, #tpu.memory_space<hbm>> -> memref<52224xf32, #tpu.memory_space<hbm>>
      tpu.wait_dma2 semaphore(%arg6 : memref<!tpu.dma_semaphore, #tpu.memory_space<semaphore_mem>>) src(%dma_wait3A_221 : memref<52224xf32, #tpu.memory_space<hbm>>) dst(%dma_wait3A_219 : memref<52224xf32, #tpu.memory_space<vmem>>)
      %dma_start3A_222 = arith.constant 0 : i32
      %dma_start3A_223 = tpu.memref_slice %arg5[%dma_start3A_222] : memref<52224xf32, #tpu.memory_space<vmem>> -> memref<52224xf32, #tpu.memory_space<vmem>>
      %dma_start3A_224 = arith.constant 104448 : i32
      %dma_start3A_225 = tpu.memref_slice %arg4[%dma_start3A_224] : memref<528384xf32, #tpu.memory_space<vmem_shared>> -> memref<52224xf32, #tpu.memory_space<vmem_shared>>
      %dma_start3A_226 = arith.constant 104448 : i32
      %dma_start3A_227 = tpu.memref_slice %arg4[%dma_start3A_226] : memref<528384xf32, #tpu.memory_space<vmem_shared>> -> memref<52224xf32, #tpu.memory_space<vmem_shared>>
      %dma_start3A_228 = arith.constant 0 : i32
      %dma_start3A_229 = tpu.memref_slice %arg5[%dma_start3A_228] : memref<52224xf32, #tpu.memory_space<vmem>> -> memref<52224xf32, #tpu.memory_space<vmem>>
      tpu.enqueue_dma source(%dma_start3A_229 : memref<52224xf32, #tpu.memory_space<vmem>>) target(%dma_start3A_227 : memref<52224xf32, #tpu.memory_space<vmem_shared>>) target_semaphore(%arg6 : memref<!tpu.dma_semaphore, #tpu.memory_space<semaphore_mem>>)
      %dma_wait3A_230 = arith.constant 0 : i32
      %dma_wait3A_231 = tpu.memref_slice %arg5[%dma_wait3A_230] : memref<52224xf32, #tpu.memory_space<vmem>> -> memref<52224xf32, #tpu.memory_space<vmem>>
      %dma_wait3A_232 = arith.constant 104448 : i32
      %dma_wait3A_233 = tpu.memref_slice %arg4[%dma_wait3A_232] : memref<528384xf32, #tpu.memory_space<vmem_shared>> -> memref<52224xf32, #tpu.memory_space<vmem_shared>>
      %dma_wait3A_234 = arith.constant 104448 : i32
      %dma_wait3A_235 = tpu.memref_slice %arg4[%dma_wait3A_234] : memref<528384xf32, #tpu.memory_space<vmem_shared>> -> memref<52224xf32, #tpu.memory_space<vmem_shared>>
      %dma_wait3A_236 = arith.constant 0 : i32
      %dma_wait3A_237 = tpu.memref_slice %arg5[%dma_wait3A_236] : memref<52224xf32, #tpu.memory_space<vmem>> -> memref<52224xf32, #tpu.memory_space<vmem>>
      tpu.wait_dma2 semaphore(%arg6 : memref<!tpu.dma_semaphore, #tpu.memory_space<semaphore_mem>>) src(%dma_wait3A_237 : memref<52224xf32, #tpu.memory_space<vmem>>) dst(%dma_wait3A_235 : memref<52224xf32, #tpu.memory_space<vmem_shared>>)
    } else {
    }
    %eq3A_13 = arith.constant 3 : i32
    %eq3A_14 = arith.cmpi eq, %arg1, %eq3A_13 : i32
    %convert_element_type3A_15 = arith.extui %eq3A_14 : i1 to i32
    %cond3A_16 = arith.constant 0 : i32
    %cond3A_17 = arith.cmpi ne, %convert_element_type3A_15, %cond3A_16 : i32
    scf.if %cond3A_17 {
      %dma_start3A_206 = arith.constant 0 : i32
      %dma_start3A_207 = tpu.memref_slice %arg5[%dma_start3A_206] : memref<52224xf32, #tpu.memory_space<vmem>> -> memref<52224xf32, #tpu.memory_space<vmem>>
      %dma_start3A_208 = arith.constant 525312 : i32
      %dma_start3A_209 = tpu.memref_slice %arg2[%dma_start3A_208] : memref<792576xf32, #tpu.memory_space<hbm>> -> memref<52224xf32, #tpu.memory_space<hbm>>
      %dma_start3A_210 = arith.constant 0 : i32
      %dma_start3A_211 = tpu.memref_slice %arg5[%dma_start3A_210] : memref<52224xf32, #tpu.memory_space<vmem>> -> memref<52224xf32, #tpu.memory_space<vmem>>
      %dma_start3A_212 = arith.constant 525312 : i32
      %dma_start3A_213 = tpu.memref_slice %arg2[%dma_start3A_212] : memref<792576xf32, #tpu.memory_space<hbm>> -> memref<52224xf32, #tpu.memory_space<hbm>>
      tpu.enqueue_dma source(%dma_start3A_213 : memref<52224xf32, #tpu.memory_space<hbm>>) target(%dma_start3A_211 : memref<52224xf32, #tpu.memory_space<vmem>>) target_semaphore(%arg6 : memref<!tpu.dma_semaphore, #tpu.memory_space<semaphore_mem>>)
      %dma_wait3A_214 = arith.constant 0 : i32
      %dma_wait3A_215 = tpu.memref_slice %arg5[%dma_wait3A_214] : memref<52224xf32, #tpu.memory_space<vmem>> -> memref<52224xf32, #tpu.memory_space<vmem>>
      %dma_wait3A_216 = arith.constant 525312 : i32
      %dma_wait3A_217 = tpu.memref_slice %arg2[%dma_wait3A_216] : memref<792576xf32, #tpu.memory_space<hbm>> -> memref<52224xf32, #tpu.memory_space<hbm>>
      %dma_wait3A_218 = arith.constant 0 : i32
      %dma_wait3A_219 = tpu.memref_slice %arg5[%dma_wait3A_218] : memref<52224xf32, #tpu.memory_space<vmem>> -> memref<52224xf32, #tpu.memory_space<vmem>>
      %dma_wait3A_220 = arith.constant 525312 : i32
      %dma_wait3A_221 = tpu.memref_slice %arg2[%dma_wait3A_220] : memref<792576xf32, #tpu.memory_space<hbm>> -> memref<52224xf32, #tpu.memory_space<hbm>>
      tpu.wait_dma2 semaphore(%arg6 : memref<!tpu.dma_semaphore, #tpu.memory_space<semaphore_mem>>) src(%dma_wait3A_221 : memref<52224xf32, #tpu.memory_space<hbm>>) dst(%dma_wait3A_219 : memref<52224xf32, #tpu.memory_space<vmem>>)
      %dma_start3A_222 = arith.constant 0 : i32
      %dma_start3A_223 = tpu.memref_slice %arg5[%dma_start3A_222] : memref<52224xf32, #tpu.memory_space<vmem>> -> memref<52224xf32, #tpu.memory_space<vmem>>
      %dma_start3A_224 = arith.constant 156672 : i32
      %dma_start3A_225 = tpu.memref_slice %arg4[%dma_start3A_224] : memref<528384xf32, #tpu.memory_space<vmem_shared>> -> memref<52224xf32, #tpu.memory_space<vmem_shared>>
      %dma_start3A_226 = arith.constant 156672 : i32
      %dma_start3A_227 = tpu.memref_slice %arg4[%dma_start3A_226] : memref<528384xf32, #tpu.memory_space<vmem_shared>> -> memref<52224xf32, #tpu.memory_space<vmem_shared>>
      %dma_start3A_228 = arith.constant 0 : i32
      %dma_start3A_229 = tpu.memref_slice %arg5[%dma_start3A_228] : memref<52224xf32, #tpu.memory_space<vmem>> -> memref<52224xf32, #tpu.memory_space<vmem>>
      tpu.enqueue_dma source(%dma_start3A_229 : memref<52224xf32, #tpu.memory_space<vmem>>) target(%dma_start3A_227 : memref<52224xf32, #tpu.memory_space<vmem_shared>>) target_semaphore(%arg6 : memref<!tpu.dma_semaphore, #tpu.memory_space<semaphore_mem>>)
      %dma_wait3A_230 = arith.constant 0 : i32
      %dma_wait3A_231 = tpu.memref_slice %arg5[%dma_wait3A_230] : memref<52224xf32, #tpu.memory_space<vmem>> -> memref<52224xf32, #tpu.memory_space<vmem>>
      %dma_wait3A_232 = arith.constant 156672 : i32
      %dma_wait3A_233 = tpu.memref_slice %arg4[%dma_wait3A_232] : memref<528384xf32, #tpu.memory_space<vmem_shared>> -> memref<52224xf32, #tpu.memory_space<vmem_shared>>
      %dma_wait3A_234 = arith.constant 156672 : i32
      %dma_wait3A_235 = tpu.memref_slice %arg4[%dma_wait3A_234] : memref<528384xf32, #tpu.memory_space<vmem_shared>> -> memref<52224xf32, #tpu.memory_space<vmem_shared>>
      %dma_wait3A_236 = arith.constant 0 : i32
      %dma_wait3A_237 = tpu.memref_slice %arg5[%dma_wait3A_236] : memref<52224xf32, #tpu.memory_space<vmem>> -> memref<52224xf32, #tpu.memory_space<vmem>>
      tpu.wait_dma2 semaphore(%arg6 : memref<!tpu.dma_semaphore, #tpu.memory_space<semaphore_mem>>) src(%dma_wait3A_237 : memref<52224xf32, #tpu.memory_space<vmem>>) dst(%dma_wait3A_235 : memref<52224xf32, #tpu.memory_space<vmem_shared>>)
    } else {
    }
    %eq3A_18 = arith.constant 4 : i32
    %eq3A_19 = arith.cmpi eq, %arg1, %eq3A_18 : i32
    %convert_element_type3A_20 = arith.extui %eq3A_19 : i1 to i32
    %cond3A_21 = arith.constant 0 : i32
    %cond3A_22 = arith.cmpi ne, %convert_element_type3A_20, %cond3A_21 : i32
    scf.if %cond3A_22 {
      %dma_start3A_206 = arith.constant 0 : i32
      %dma_start3A_207 = tpu.memref_slice %arg5[%dma_start3A_206] : memref<52224xf32, #tpu.memory_space<vmem>> -> memref<52224xf32, #tpu.memory_space<vmem>>
      %dma_start3A_208 = arith.constant 577536 : i32
      %dma_start3A_209 = tpu.memref_slice %arg2[%dma_start3A_208] : memref<792576xf32, #tpu.memory_space<hbm>> -> memref<52224xf32, #tpu.memory_space<hbm>>
      %dma_start3A_210 = arith.constant 0 : i32
      %dma_start3A_211 = tpu.memref_slice %arg5[%dma_start3A_210] : memref<52224xf32, #tpu.memory_space<vmem>> -> memref<52224xf32, #tpu.memory_space<vmem>>
      %dma_start3A_212 = arith.constant 577536 : i32
      %dma_start3A_213 = tpu.memref_slice %arg2[%dma_start3A_212] : memref<792576xf32, #tpu.memory_space<hbm>> -> memref<52224xf32, #tpu.memory_space<hbm>>
      tpu.enqueue_dma source(%dma_start3A_213 : memref<52224xf32, #tpu.memory_space<hbm>>) target(%dma_start3A_211 : memref<52224xf32, #tpu.memory_space<vmem>>) target_semaphore(%arg6 : memref<!tpu.dma_semaphore, #tpu.memory_space<semaphore_mem>>)
      %dma_wait3A_214 = arith.constant 0 : i32
      %dma_wait3A_215 = tpu.memref_slice %arg5[%dma_wait3A_214] : memref<52224xf32, #tpu.memory_space<vmem>> -> memref<52224xf32, #tpu.memory_space<vmem>>
      %dma_wait3A_216 = arith.constant 577536 : i32
      %dma_wait3A_217 = tpu.memref_slice %arg2[%dma_wait3A_216] : memref<792576xf32, #tpu.memory_space<hbm>> -> memref<52224xf32, #tpu.memory_space<hbm>>
      %dma_wait3A_218 = arith.constant 0 : i32
      %dma_wait3A_219 = tpu.memref_slice %arg5[%dma_wait3A_218] : memref<52224xf32, #tpu.memory_space<vmem>> -> memref<52224xf32, #tpu.memory_space<vmem>>
      %dma_wait3A_220 = arith.constant 577536 : i32
      %dma_wait3A_221 = tpu.memref_slice %arg2[%dma_wait3A_220] : memref<792576xf32, #tpu.memory_space<hbm>> -> memref<52224xf32, #tpu.memory_space<hbm>>
      tpu.wait_dma2 semaphore(%arg6 : memref<!tpu.dma_semaphore, #tpu.memory_space<semaphore_mem>>) src(%dma_wait3A_221 : memref<52224xf32, #tpu.memory_space<hbm>>) dst(%dma_wait3A_219 : memref<52224xf32, #tpu.memory_space<vmem>>)
      %dma_start3A_222 = arith.constant 0 : i32
      %dma_start3A_223 = tpu.memref_slice %arg5[%dma_start3A_222] : memref<52224xf32, #tpu.memory_space<vmem>> -> memref<52224xf32, #tpu.memory_space<vmem>>
      %dma_start3A_224 = arith.constant 208896 : i32
      %dma_start3A_225 = tpu.memref_slice %arg4[%dma_start3A_224] : memref<528384xf32, #tpu.memory_space<vmem_shared>> -> memref<52224xf32, #tpu.memory_space<vmem_shared>>
      %dma_start3A_226 = arith.constant 208896 : i32
      %dma_start3A_227 = tpu.memref_slice %arg4[%dma_start3A_226] : memref<528384xf32, #tpu.memory_space<vmem_shared>> -> memref<52224xf32, #tpu.memory_space<vmem_shared>>
      %dma_start3A_228 = arith.constant 0 : i32
      %dma_start3A_229 = tpu.memref_slice %arg5[%dma_start3A_228] : memref<52224xf32, #tpu.memory_space<vmem>> -> memref<52224xf32, #tpu.memory_space<vmem>>
      tpu.enqueue_dma source(%dma_start3A_229 : memref<52224xf32, #tpu.memory_space<vmem>>) target(%dma_start3A_227 : memref<52224xf32, #tpu.memory_space<vmem_shared>>) target_semaphore(%arg6 : memref<!tpu.dma_semaphore, #tpu.memory_space<semaphore_mem>>)
      %dma_wait3A_230 = arith.constant 0 : i32
      %dma_wait3A_231 = tpu.memref_slice %arg5[%dma_wait3A_230] : memref<52224xf32, #tpu.memory_space<vmem>> -> memref<52224xf32, #tpu.memory_space<vmem>>
      %dma_wait3A_232 = arith.constant 208896 : i32
      %dma_wait3A_233 = tpu.memref_slice %arg4[%dma_wait3A_232] : memref<528384xf32, #tpu.memory_space<vmem_shared>> -> memref<52224xf32, #tpu.memory_space<vmem_shared>>
      %dma_wait3A_234 = arith.constant 208896 : i32
      %dma_wait3A_235 = tpu.memref_slice %arg4[%dma_wait3A_234] : memref<528384xf32, #tpu.memory_space<vmem_shared>> -> memref<52224xf32, #tpu.memory_space<vmem_shared>>
      %dma_wait3A_236 = arith.constant 0 : i32
      %dma_wait3A_237 = tpu.memref_slice %arg5[%dma_wait3A_236] : memref<52224xf32, #tpu.memory_space<vmem>> -> memref<52224xf32, #tpu.memory_space<vmem>>
      tpu.wait_dma2 semaphore(%arg6 : memref<!tpu.dma_semaphore, #tpu.memory_space<semaphore_mem>>) src(%dma_wait3A_237 : memref<52224xf32, #tpu.memory_space<vmem>>) dst(%dma_wait3A_235 : memref<52224xf32, #tpu.memory_space<vmem_shared>>)
    } else {
    }
    %eq3A_23 = arith.constant 5 : i32
    %eq3A_24 = arith.cmpi eq, %arg1, %eq3A_23 : i32
    %convert_element_type3A_25 = arith.extui %eq3A_24 : i1 to i32
    %cond3A_26 = arith.constant 0 : i32
    %cond3A_27 = arith.cmpi ne, %convert_element_type3A_25, %cond3A_26 : i32
    scf.if %cond3A_27 {
      %dma_start3A_206 = arith.constant 0 : i32
      %dma_start3A_207 = tpu.memref_slice %arg5[%dma_start3A_206] : memref<52224xf32, #tpu.memory_space<vmem>> -> memref<52224xf32, #tpu.memory_space<vmem>>
      %dma_start3A_208 = arith.constant 629760 : i32
      %dma_start3A_209 = tpu.memref_slice %arg2[%dma_start3A_208] : memref<792576xf32, #tpu.memory_space<hbm>> -> memref<52224xf32, #tpu.memory_space<hbm>>
      %dma_start3A_210 = arith.constant 0 : i32
      %dma_start3A_211 = tpu.memref_slice %arg5[%dma_start3A_210] : memref<52224xf32, #tpu.memory_space<vmem>> -> memref<52224xf32, #tpu.memory_space<vmem>>
      %dma_start3A_212 = arith.constant 629760 : i32
      %dma_start3A_213 = tpu.memref_slice %arg2[%dma_start3A_212] : memref<792576xf32, #tpu.memory_space<hbm>> -> memref<52224xf32, #tpu.memory_space<hbm>>
      tpu.enqueue_dma source(%dma_start3A_213 : memref<52224xf32, #tpu.memory_space<hbm>>) target(%dma_start3A_211 : memref<52224xf32, #tpu.memory_space<vmem>>) target_semaphore(%arg6 : memref<!tpu.dma_semaphore, #tpu.memory_space<semaphore_mem>>)
      %dma_wait3A_214 = arith.constant 0 : i32
      %dma_wait3A_215 = tpu.memref_slice %arg5[%dma_wait3A_214] : memref<52224xf32, #tpu.memory_space<vmem>> -> memref<52224xf32, #tpu.memory_space<vmem>>
      %dma_wait3A_216 = arith.constant 629760 : i32
      %dma_wait3A_217 = tpu.memref_slice %arg2[%dma_wait3A_216] : memref<792576xf32, #tpu.memory_space<hbm>> -> memref<52224xf32, #tpu.memory_space<hbm>>
      %dma_wait3A_218 = arith.constant 0 : i32
      %dma_wait3A_219 = tpu.memref_slice %arg5[%dma_wait3A_218] : memref<52224xf32, #tpu.memory_space<vmem>> -> memref<52224xf32, #tpu.memory_space<vmem>>
      %dma_wait3A_220 = arith.constant 629760 : i32
      %dma_wait3A_221 = tpu.memref_slice %arg2[%dma_wait3A_220] : memref<792576xf32, #tpu.memory_space<hbm>> -> memref<52224xf32, #tpu.memory_space<hbm>>
      tpu.wait_dma2 semaphore(%arg6 : memref<!tpu.dma_semaphore, #tpu.memory_space<semaphore_mem>>) src(%dma_wait3A_221 : memref<52224xf32, #tpu.memory_space<hbm>>) dst(%dma_wait3A_219 : memref<52224xf32, #tpu.memory_space<vmem>>)
      %dma_start3A_222 = arith.constant 0 : i32
      %dma_start3A_223 = tpu.memref_slice %arg5[%dma_start3A_222] : memref<52224xf32, #tpu.memory_space<vmem>> -> memref<52224xf32, #tpu.memory_space<vmem>>
      %dma_start3A_224 = arith.constant 261120 : i32
      %dma_start3A_225 = tpu.memref_slice %arg4[%dma_start3A_224] : memref<528384xf32, #tpu.memory_space<vmem_shared>> -> memref<52224xf32, #tpu.memory_space<vmem_shared>>
      %dma_start3A_226 = arith.constant 261120 : i32
      %dma_start3A_227 = tpu.memref_slice %arg4[%dma_start3A_226] : memref<528384xf32, #tpu.memory_space<vmem_shared>> -> memref<52224xf32, #tpu.memory_space<vmem_shared>>
      %dma_start3A_228 = arith.constant 0 : i32
      %dma_start3A_229 = tpu.memref_slice %arg5[%dma_start3A_228] : memref<52224xf32, #tpu.memory_space<vmem>> -> memref<52224xf32, #tpu.memory_space<vmem>>
      tpu.enqueue_dma source(%dma_start3A_229 : memref<52224xf32, #tpu.memory_space<vmem>>) target(%dma_start3A_227 : memref<52224xf32, #tpu.memory_space<vmem_shared>>) target_semaphore(%arg6 : memref<!tpu.dma_semaphore, #tpu.memory_space<semaphore_mem>>)
      %dma_wait3A_230 = arith.constant 0 : i32
      %dma_wait3A_231 = tpu.memref_slice %arg5[%dma_wait3A_230] : memref<52224xf32, #tpu.memory_space<vmem>> -> memref<52224xf32, #tpu.memory_space<vmem>>
      %dma_wait3A_232 = arith.constant 261120 : i32
      %dma_wait3A_233 = tpu.memref_slice %arg4[%dma_wait3A_232] : memref<528384xf32, #tpu.memory_space<vmem_shared>> -> memref<52224xf32, #tpu.memory_space<vmem_shared>>
      %dma_wait3A_234 = arith.constant 261120 : i32
      %dma_wait3A_235 = tpu.memref_slice %arg4[%dma_wait3A_234] : memref<528384xf32, #tpu.memory_space<vmem_shared>> -> memref<52224xf32, #tpu.memory_space<vmem_shared>>
      %dma_wait3A_236 = arith.constant 0 : i32
      %dma_wait3A_237 = tpu.memref_slice %arg5[%dma_wait3A_236] : memref<52224xf32, #tpu.memory_space<vmem>> -> memref<52224xf32, #tpu.memory_space<vmem>>
      tpu.wait_dma2 semaphore(%arg6 : memref<!tpu.dma_semaphore, #tpu.memory_space<semaphore_mem>>) src(%dma_wait3A_237 : memref<52224xf32, #tpu.memory_space<vmem>>) dst(%dma_wait3A_235 : memref<52224xf32, #tpu.memory_space<vmem_shared>>)
    } else {
    }
    %eq3A_28 = arith.constant 6 : i32
    %eq3A_29 = arith.cmpi eq, %arg1, %eq3A_28 : i32
    %convert_element_type3A_30 = arith.extui %eq3A_29 : i1 to i32
    %cond3A_31 = arith.constant 0 : i32
    %cond3A_32 = arith.cmpi ne, %convert_element_type3A_30, %cond3A_31 : i32
    scf.if %cond3A_32 {
      %dma_start3A_206 = arith.constant 0 : i32
      %dma_start3A_207 = tpu.memref_slice %arg5[%dma_start3A_206] : memref<52224xf32, #tpu.memory_space<vmem>> -> memref<52224xf32, #tpu.memory_space<vmem>>
      %dma_start3A_208 = arith.constant 681984 : i32
      %dma_start3A_209 = tpu.memref_slice %arg2[%dma_start3A_208] : memref<792576xf32, #tpu.memory_space<hbm>> -> memref<52224xf32, #tpu.memory_space<hbm>>
      %dma_start3A_210 = arith.constant 0 : i32
      %dma_start3A_211 = tpu.memref_slice %arg5[%dma_start3A_210] : memref<52224xf32, #tpu.memory_space<vmem>> -> memref<52224xf32, #tpu.memory_space<vmem>>
      %dma_start3A_212 = arith.constant 681984 : i32
      %dma_start3A_213 = tpu.memref_slice %arg2[%dma_start3A_212] : memref<792576xf32, #tpu.memory_space<hbm>> -> memref<52224xf32, #tpu.memory_space<hbm>>
      tpu.enqueue_dma source(%dma_start3A_213 : memref<52224xf32, #tpu.memory_space<hbm>>) target(%dma_start3A_211 : memref<52224xf32, #tpu.memory_space<vmem>>) target_semaphore(%arg6 : memref<!tpu.dma_semaphore, #tpu.memory_space<semaphore_mem>>)
      %dma_wait3A_214 = arith.constant 0 : i32
      %dma_wait3A_215 = tpu.memref_slice %arg5[%dma_wait3A_214] : memref<52224xf32, #tpu.memory_space<vmem>> -> memref<52224xf32, #tpu.memory_space<vmem>>
      %dma_wait3A_216 = arith.constant 681984 : i32
      %dma_wait3A_217 = tpu.memref_slice %arg2[%dma_wait3A_216] : memref<792576xf32, #tpu.memory_space<hbm>> -> memref<52224xf32, #tpu.memory_space<hbm>>
      %dma_wait3A_218 = arith.constant 0 : i32
      %dma_wait3A_219 = tpu.memref_slice %arg5[%dma_wait3A_218] : memref<52224xf32, #tpu.memory_space<vmem>> -> memref<52224xf32, #tpu.memory_space<vmem>>
      %dma_wait3A_220 = arith.constant 681984 : i32
      %dma_wait3A_221 = tpu.memref_slice %arg2[%dma_wait3A_220] : memref<792576xf32, #tpu.memory_space<hbm>> -> memref<52224xf32, #tpu.memory_space<hbm>>
      tpu.wait_dma2 semaphore(%arg6 : memref<!tpu.dma_semaphore, #tpu.memory_space<semaphore_mem>>) src(%dma_wait3A_221 : memref<52224xf32, #tpu.memory_space<hbm>>) dst(%dma_wait3A_219 : memref<52224xf32, #tpu.memory_space<vmem>>)
      %dma_start3A_222 = arith.constant 0 : i32
      %dma_start3A_223 = tpu.memref_slice %arg5[%dma_start3A_222] : memref<52224xf32, #tpu.memory_space<vmem>> -> memref<52224xf32, #tpu.memory_space<vmem>>
      %dma_start3A_224 = arith.constant 313344 : i32
      %dma_start3A_225 = tpu.memref_slice %arg4[%dma_start3A_224] : memref<528384xf32, #tpu.memory_space<vmem_shared>> -> memref<52224xf32, #tpu.memory_space<vmem_shared>>
      %dma_start3A_226 = arith.constant 313344 : i32
      %dma_start3A_227 = tpu.memref_slice %arg4[%dma_start3A_226] : memref<528384xf32, #tpu.memory_space<vmem_shared>> -> memref<52224xf32, #tpu.memory_space<vmem_shared>>
      %dma_start3A_228 = arith.constant 0 : i32
      %dma_start3A_229 = tpu.memref_slice %arg5[%dma_start3A_228] : memref<52224xf32, #tpu.memory_space<vmem>> -> memref<52224xf32, #tpu.memory_space<vmem>>
      tpu.enqueue_dma source(%dma_start3A_229 : memref<52224xf32, #tpu.memory_space<vmem>>) target(%dma_start3A_227 : memref<52224xf32, #tpu.memory_space<vmem_shared>>) target_semaphore(%arg6 : memref<!tpu.dma_semaphore, #tpu.memory_space<semaphore_mem>>)
      %dma_wait3A_230 = arith.constant 0 : i32
      %dma_wait3A_231 = tpu.memref_slice %arg5[%dma_wait3A_230] : memref<52224xf32, #tpu.memory_space<vmem>> -> memref<52224xf32, #tpu.memory_space<vmem>>
      %dma_wait3A_232 = arith.constant 313344 : i32
      %dma_wait3A_233 = tpu.memref_slice %arg4[%dma_wait3A_232] : memref<528384xf32, #tpu.memory_space<vmem_shared>> -> memref<52224xf32, #tpu.memory_space<vmem_shared>>
      %dma_wait3A_234 = arith.constant 313344 : i32
      %dma_wait3A_235 = tpu.memref_slice %arg4[%dma_wait3A_234] : memref<528384xf32, #tpu.memory_space<vmem_shared>> -> memref<52224xf32, #tpu.memory_space<vmem_shared>>
      %dma_wait3A_236 = arith.constant 0 : i32
      %dma_wait3A_237 = tpu.memref_slice %arg5[%dma_wait3A_236] : memref<52224xf32, #tpu.memory_space<vmem>> -> memref<52224xf32, #tpu.memory_space<vmem>>
      tpu.wait_dma2 semaphore(%arg6 : memref<!tpu.dma_semaphore, #tpu.memory_space<semaphore_mem>>) src(%dma_wait3A_237 : memref<52224xf32, #tpu.memory_space<vmem>>) dst(%dma_wait3A_235 : memref<52224xf32, #tpu.memory_space<vmem_shared>>)
    } else {
    }
    %eq3A_33 = arith.constant 7 : i32
    %eq3A_34 = arith.cmpi eq, %arg1, %eq3A_33 : i32
    %convert_element_type3A_35 = arith.extui %eq3A_34 : i1 to i32
    %cond3A_36 = arith.constant 0 : i32
    %cond3A_37 = arith.cmpi ne, %convert_element_type3A_35, %cond3A_36 : i32
    scf.if %cond3A_37 {
      %dma_start3A_206 = arith.constant 0 : i32
      %dma_start3A_207 = tpu.memref_slice %arg5[%dma_start3A_206] : memref<52224xf32, #tpu.memory_space<vmem>> -> memref<52224xf32, #tpu.memory_space<vmem>>
      %dma_start3A_208 = arith.constant 734208 : i32
      %dma_start3A_209 = tpu.memref_slice %arg2[%dma_start3A_208] : memref<792576xf32, #tpu.memory_space<hbm>> -> memref<52224xf32, #tpu.memory_space<hbm>>
      %dma_start3A_210 = arith.constant 0 : i32
      %dma_start3A_211 = tpu.memref_slice %arg5[%dma_start3A_210] : memref<52224xf32, #tpu.memory_space<vmem>> -> memref<52224xf32, #tpu.memory_space<vmem>>
      %dma_start3A_212 = arith.constant 734208 : i32
      %dma_start3A_213 = tpu.memref_slice %arg2[%dma_start3A_212] : memref<792576xf32, #tpu.memory_space<hbm>> -> memref<52224xf32, #tpu.memory_space<hbm>>
      tpu.enqueue_dma source(%dma_start3A_213 : memref<52224xf32, #tpu.memory_space<hbm>>) target(%dma_start3A_211 : memref<52224xf32, #tpu.memory_space<vmem>>) target_semaphore(%arg6 : memref<!tpu.dma_semaphore, #tpu.memory_space<semaphore_mem>>)
      %dma_wait3A_214 = arith.constant 0 : i32
      %dma_wait3A_215 = tpu.memref_slice %arg5[%dma_wait3A_214] : memref<52224xf32, #tpu.memory_space<vmem>> -> memref<52224xf32, #tpu.memory_space<vmem>>
      %dma_wait3A_216 = arith.constant 734208 : i32
      %dma_wait3A_217 = tpu.memref_slice %arg2[%dma_wait3A_216] : memref<792576xf32, #tpu.memory_space<hbm>> -> memref<52224xf32, #tpu.memory_space<hbm>>
      %dma_wait3A_218 = arith.constant 0 : i32
      %dma_wait3A_219 = tpu.memref_slice %arg5[%dma_wait3A_218] : memref<52224xf32, #tpu.memory_space<vmem>> -> memref<52224xf32, #tpu.memory_space<vmem>>
      %dma_wait3A_220 = arith.constant 734208 : i32
      %dma_wait3A_221 = tpu.memref_slice %arg2[%dma_wait3A_220] : memref<792576xf32, #tpu.memory_space<hbm>> -> memref<52224xf32, #tpu.memory_space<hbm>>
      tpu.wait_dma2 semaphore(%arg6 : memref<!tpu.dma_semaphore, #tpu.memory_space<semaphore_mem>>) src(%dma_wait3A_221 : memref<52224xf32, #tpu.memory_space<hbm>>) dst(%dma_wait3A_219 : memref<52224xf32, #tpu.memory_space<vmem>>)
      %dma_start3A_222 = arith.constant 0 : i32
      %dma_start3A_223 = tpu.memref_slice %arg5[%dma_start3A_222] : memref<52224xf32, #tpu.memory_space<vmem>> -> memref<52224xf32, #tpu.memory_space<vmem>>
      %dma_start3A_224 = arith.constant 365568 : i32
      %dma_start3A_225 = tpu.memref_slice %arg4[%dma_start3A_224] : memref<528384xf32, #tpu.memory_space<vmem_shared>> -> memref<52224xf32, #tpu.memory_space<vmem_shared>>
      %dma_start3A_226 = arith.constant 365568 : i32
      %dma_start3A_227 = tpu.memref_slice %arg4[%dma_start3A_226] : memref<528384xf32, #tpu.memory_space<vmem_shared>> -> memref<52224xf32, #tpu.memory_space<vmem_shared>>
      %dma_start3A_228 = arith.constant 0 : i32
      %dma_start3A_229 = tpu.memref_slice %arg5[%dma_start3A_228] : memref<52224xf32, #tpu.memory_space<vmem>> -> memref<52224xf32, #tpu.memory_space<vmem>>
      tpu.enqueue_dma source(%dma_start3A_229 : memref<52224xf32, #tpu.memory_space<vmem>>) target(%dma_start3A_227 : memref<52224xf32, #tpu.memory_space<vmem_shared>>) target_semaphore(%arg6 : memref<!tpu.dma_semaphore, #tpu.memory_space<semaphore_mem>>)
      %dma_wait3A_230 = arith.constant 0 : i32
      %dma_wait3A_231 = tpu.memref_slice %arg5[%dma_wait3A_230] : memref<52224xf32, #tpu.memory_space<vmem>> -> memref<52224xf32, #tpu.memory_space<vmem>>
      %dma_wait3A_232 = arith.constant 365568 : i32
      %dma_wait3A_233 = tpu.memref_slice %arg4[%dma_wait3A_232] : memref<528384xf32, #tpu.memory_space<vmem_shared>> -> memref<52224xf32, #tpu.memory_space<vmem_shared>>
      %dma_wait3A_234 = arith.constant 365568 : i32
      %dma_wait3A_235 = tpu.memref_slice %arg4[%dma_wait3A_234] : memref<528384xf32, #tpu.memory_space<vmem_shared>> -> memref<52224xf32, #tpu.memory_space<vmem_shared>>
      %dma_wait3A_236 = arith.constant 0 : i32
      %dma_wait3A_237 = tpu.memref_slice %arg5[%dma_wait3A_236] : memref<52224xf32, #tpu.memory_space<vmem>> -> memref<52224xf32, #tpu.memory_space<vmem>>
      tpu.wait_dma2 semaphore(%arg6 : memref<!tpu.dma_semaphore, #tpu.memory_space<semaphore_mem>>) src(%dma_wait3A_237 : memref<52224xf32, #tpu.memory_space<vmem>>) dst(%dma_wait3A_235 : memref<52224xf32, #tpu.memory_space<vmem_shared>>)
    } else {
    }
    %eq3A_38 = arith.constant 8 : i32
    %eq3A_39 = arith.cmpi eq, %arg1, %eq3A_38 : i32
    %convert_element_type3A_40 = arith.extui %eq3A_39 : i1 to i32
    %cond3A_41 = arith.constant 0 : i32
    %cond3A_42 = arith.cmpi ne, %convert_element_type3A_40, %cond3A_41 : i32
    scf.if %cond3A_42 {
      %dma_start3A_206 = arith.constant 0 : i32
      %dma_start3A_207 = tpu.memref_slice %arg5[%dma_start3A_206] : memref<52224xf32, #tpu.memory_space<vmem>> -> memref<6144xf32, #tpu.memory_space<vmem>>
      %dma_start3A_208 = arith.constant 786432 : i32
      %dma_start3A_209 = tpu.memref_slice %arg2[%dma_start3A_208] : memref<792576xf32, #tpu.memory_space<hbm>> -> memref<6144xf32, #tpu.memory_space<hbm>>
      %dma_start3A_210 = arith.constant 0 : i32
      %dma_start3A_211 = tpu.memref_slice %arg5[%dma_start3A_210] : memref<52224xf32, #tpu.memory_space<vmem>> -> memref<6144xf32, #tpu.memory_space<vmem>>
      %dma_start3A_212 = arith.constant 786432 : i32
      %dma_start3A_213 = tpu.memref_slice %arg2[%dma_start3A_212] : memref<792576xf32, #tpu.memory_space<hbm>> -> memref<6144xf32, #tpu.memory_space<hbm>>
      tpu.enqueue_dma source(%dma_start3A_213 : memref<6144xf32, #tpu.memory_space<hbm>>) target(%dma_start3A_211 : memref<6144xf32, #tpu.memory_space<vmem>>) target_semaphore(%arg6 : memref<!tpu.dma_semaphore, #tpu.memory_space<semaphore_mem>>)
      %dma_wait3A_214 = arith.constant 0 : i32
      %dma_wait3A_215 = tpu.memref_slice %arg5[%dma_wait3A_214] : memref<52224xf32, #tpu.memory_space<vmem>> -> memref<6144xf32, #tpu.memory_space<vmem>>
      %dma_wait3A_216 = arith.constant 786432 : i32
      %dma_wait3A_217 = tpu.memref_slice %arg2[%dma_wait3A_216] : memref<792576xf32, #tpu.memory_space<hbm>> -> memref<6144xf32, #tpu.memory_space<hbm>>
      %dma_wait3A_218 = arith.constant 0 : i32
      %dma_wait3A_219 = tpu.memref_slice %arg5[%dma_wait3A_218] : memref<52224xf32, #tpu.memory_space<vmem>> -> memref<6144xf32, #tpu.memory_space<vmem>>
      %dma_wait3A_220 = arith.constant 786432 : i32
      %dma_wait3A_221 = tpu.memref_slice %arg2[%dma_wait3A_220] : memref<792576xf32, #tpu.memory_space<hbm>> -> memref<6144xf32, #tpu.memory_space<hbm>>
      tpu.wait_dma2 semaphore(%arg6 : memref<!tpu.dma_semaphore, #tpu.memory_space<semaphore_mem>>) src(%dma_wait3A_221 : memref<6144xf32, #tpu.memory_space<hbm>>) dst(%dma_wait3A_219 : memref<6144xf32, #tpu.memory_space<vmem>>)
      %get3A = arith.constant 0 : index
      %get3A_222 = tpu.vector_load %arg5[%get3A] {strides = array<i32>} : memref<52224xf32, #tpu.memory_space<vmem>>, vector<16xf32>,
      %get3A_223 = vector.shape_cast %get3A_222 : vector<16xf32> to vector<16xf32>
      %get3A_224 = arith.constant 16 : index
      %get3A_225 = tpu.vector_load %arg5[%get3A_224] {strides = array<i32>} : memref<52224xf32, #tpu.memory_space<vmem>>, vector<16xf32>,
      %get3A_226 = vector.shape_cast %get3A_225 : vector<16xf32> to vector<16xf32>
      %get3A_227 = arith.constant 32 : index
      %get3A_228 = tpu.vector_load %arg5[%get3A_227] {strides = array<i32>} : memref<52224xf32, #tpu.memory_space<vmem>>, vector<16xf32>,
      %get3A_229 = vector.shape_cast %get3A_228 : vector<16xf32> to vector<16xf32>
      %get3A_230 = arith.constant 48 : index
      %get3A_231 = tpu.vector_load %arg5[%get3A_230] {strides = array<i32>} : memref<52224xf32, #tpu.memory_space<vmem>>, vector<16xf32>,
      %get3A_232 = vector.shape_cast %get3A_231 : vector<16xf32> to vector<16xf32>
      %get3A_233 = arith.constant 64 : index
      %get3A_234 = tpu.vector_load %arg5[%get3A_233] {strides = array<i32>} : memref<52224xf32, #tpu.memory_space<vmem>>, vector<16xf32>,
      %get3A_235 = vector.shape_cast %get3A_234 : vector<16xf32> to vector<16xf32>
      %get3A_236 = arith.constant 80 : index
      %get3A_237 = tpu.vector_load %arg5[%get3A_236] {strides = array<i32>} : memref<52224xf32, #tpu.memory_space<vmem>>, vector<16xf32>,
      %get3A_238 = vector.shape_cast %get3A_237 : vector<16xf32> to vector<16xf32>
      %get3A_239 = arith.constant 96 : index
      %get3A_240 = tpu.vector_load %arg5[%get3A_239] {strides = array<i32>} : memref<52224xf32, #tpu.memory_space<vmem>>, vector<16xf32>,
      %get3A_241 = vector.shape_cast %get3A_240 : vector<16xf32> to vector<16xf32>
      %get3A_242 = arith.constant 112 : index
      %get3A_243 = tpu.vector_load %arg5[%get3A_242] {strides = array<i32>} : memref<52224xf32, #tpu.memory_space<vmem>>, vector<16xf32>,
      %get3A_244 = vector.shape_cast %get3A_243 : vector<16xf32> to vector<16xf32>
      %get3A_245 = arith.constant 128 : index
      %get3A_246 = tpu.vector_load %arg5[%get3A_245] {strides = array<i32>} : memref<52224xf32, #tpu.memory_space<vmem>>, vector<16xf32>,
      %get3A_247 = vector.shape_cast %get3A_246 : vector<16xf32> to vector<16xf32>
      %get3A_248 = arith.constant 144 : index
      %get3A_249 = tpu.vector_load %arg5[%get3A_248] {strides = array<i32>} : memref<52224xf32, #tpu.memory_space<vmem>>, vector<16xf32>,
      %get3A_250 = vector.shape_cast %get3A_249 : vector<16xf32> to vector<16xf32>
      %get3A_251 = arith.constant 160 : index
      %get3A_252 = tpu.vector_load %arg5[%get3A_251] {strides = array<i32>} : memref<52224xf32, #tpu.memory_space<vmem>>, vector<16xf32>,
      %get3A_253 = vector.shape_cast %get3A_252 : vector<16xf32> to vector<16xf32>
      %get3A_254 = arith.constant 176 : index
      %get3A_255 = tpu.vector_load %arg5[%get3A_254] {strides = array<i32>} : memref<52224xf32, #tpu.memory_space<vmem>>, vector<16xf32>,
      %get3A_256 = vector.shape_cast %get3A_255 : vector<16xf32> to vector<16xf32>
      %get3A_257 = arith.constant 192 : index
      %get3A_258 = tpu.vector_load %arg5[%get3A_257] {strides = array<i32>} : memref<52224xf32, #tpu.memory_space<vmem>>, vector<16xf32>,
      %get3A_259 = vector.shape_cast %get3A_258 : vector<16xf32> to vector<16xf32>
      %get3A_260 = arith.constant 208 : index
      %get3A_261 = tpu.vector_load %arg5[%get3A_260] {strides = array<i32>} : memref<52224xf32, #tpu.memory_space<vmem>>, vector<16xf32>,
      %get3A_262 = vector.shape_cast %get3A_261 : vector<16xf32> to vector<16xf32>
      %get3A_263 = arith.constant 224 : index
      %get3A_264 = tpu.vector_load %arg5[%get3A_263] {strides = array<i32>} : memref<52224xf32, #tpu.memory_space<vmem>>, vector<16xf32>,
      %get3A_265 = vector.shape_cast %get3A_264 : vector<16xf32> to vector<16xf32>
      %get3A_266 = arith.constant 240 : index
      %get3A_267 = tpu.vector_load %arg5[%get3A_266] {strides = array<i32>} : memref<52224xf32, #tpu.memory_space<vmem>>, vector<16xf32>,
      %get3A_268 = vector.shape_cast %get3A_267 : vector<16xf32> to vector<16xf32>
      %get3A_269 = arith.constant 256 : index
      %get3A_270 = tpu.vector_load %arg5[%get3A_269] {strides = array<i32>} : memref<52224xf32, #tpu.memory_space<vmem>>, vector<16xf32>,
      %get3A_271 = vector.shape_cast %get3A_270 : vector<16xf32> to vector<16xf32>
      %get3A_272 = arith.constant 272 : index
      %get3A_273 = tpu.vector_load %arg5[%get3A_272] {strides = array<i32>} : memref<52224xf32, #tpu.memory_space<vmem>>, vector<16xf32>,
      %get3A_274 = vector.shape_cast %get3A_273 : vector<16xf32> to vector<16xf32>
      %get3A_275 = arith.constant 288 : index
      %get3A_276 = tpu.vector_load %arg5[%get3A_275] {strides = array<i32>} : memref<52224xf32, #tpu.memory_space<vmem>>, vector<16xf32>,
      %get3A_277 = vector.shape_cast %get3A_276 : vector<16xf32> to vector<16xf32>
      %get3A_278 = arith.constant 304 : index
      %get3A_279 = tpu.vector_load %arg5[%get3A_278] {strides = array<i32>} : memref<52224xf32, #tpu.memory_space<vmem>>, vector<16xf32>,
      %get3A_280 = vector.shape_cast %get3A_279 : vector<16xf32> to vector<16xf32>
      %get3A_281 = arith.constant 320 : index
      %get3A_282 = tpu.vector_load %arg5[%get3A_281] {strides = array<i32>} : memref<52224xf32, #tpu.memory_space<vmem>>, vector<16xf32>,
      %get3A_283 = vector.shape_cast %get3A_282 : vector<16xf32> to vector<16xf32>
      %get3A_284 = arith.constant 336 : index
      %get3A_285 = tpu.vector_load %arg5[%get3A_284] {strides = array<i32>} : memref<52224xf32, #tpu.memory_space<vmem>>, vector<16xf32>,
      %get3A_286 = vector.shape_cast %get3A_285 : vector<16xf32> to vector<16xf32>
      %get3A_287 = arith.constant 352 : index
      %get3A_288 = tpu.vector_load %arg5[%get3A_287] {strides = array<i32>} : memref<52224xf32, #tpu.memory_space<vmem>>, vector<16xf32>,
      %get3A_289 = vector.shape_cast %get3A_288 : vector<16xf32> to vector<16xf32>
      %get3A_290 = arith.constant 368 : index
      %get3A_291 = tpu.vector_load %arg5[%get3A_290] {strides = array<i32>} : memref<52224xf32, #tpu.memory_space<vmem>>, vector<16xf32>,
      %get3A_292 = vector.shape_cast %get3A_291 : vector<16xf32> to vector<16xf32>
      %get3A_293 = arith.constant 384 : index
      %get3A_294 = tpu.vector_load %arg5[%get3A_293] {strides = array<i32>} : memref<52224xf32, #tpu.memory_space<vmem>>, vector<16xf32>,
      %get3A_295 = vector.shape_cast %get3A_294 : vector<16xf32> to vector<16xf32>
      %get3A_296 = arith.constant 400 : index
      %get3A_297 = tpu.vector_load %arg5[%get3A_296] {strides = array<i32>} : memref<52224xf32, #tpu.memory_space<vmem>>, vector<16xf32>,
      %get3A_298 = vector.shape_cast %get3A_297 : vector<16xf32> to vector<16xf32>
      %get3A_299 = arith.constant 416 : index
      %get3A_300 = tpu.vector_load %arg5[%get3A_299] {strides = array<i32>} : memref<52224xf32, #tpu.memory_space<vmem>>, vector<16xf32>,
      %get3A_301 = vector.shape_cast %get3A_300 : vector<16xf32> to vector<16xf32>
      %get3A_302 = arith.constant 432 : index
      %get3A_303 = tpu.vector_load %arg5[%get3A_302] {strides = array<i32>} : memref<52224xf32, #tpu.memory_space<vmem>>, vector<16xf32>,
      %get3A_304 = vector.shape_cast %get3A_303 : vector<16xf32> to vector<16xf32>
      %get3A_305 = arith.constant 448 : index
      %get3A_306 = tpu.vector_load %arg5[%get3A_305] {strides = array<i32>} : memref<52224xf32, #tpu.memory_space<vmem>>, vector<16xf32>,
      %get3A_307 = vector.shape_cast %get3A_306 : vector<16xf32> to vector<16xf32>
      %get3A_308 = arith.constant 464 : index
      %get3A_309 = tpu.vector_load %arg5[%get3A_308] {strides = array<i32>} : memref<52224xf32, #tpu.memory_space<vmem>>, vector<16xf32>,
      %get3A_310 = vector.shape_cast %get3A_309 : vector<16xf32> to vector<16xf32>
      %get3A_311 = arith.constant 480 : index
      %get3A_312 = tpu.vector_load %arg5[%get3A_311] {strides = array<i32>} : memref<52224xf32, #tpu.memory_space<vmem>>, vector<16xf32>,
      %get3A_313 = vector.shape_cast %get3A_312 : vector<16xf32> to vector<16xf32>
      %get3A_314 = arith.constant 496 : index
      %get3A_315 = tpu.vector_load %arg5[%get3A_314] {strides = array<i32>} : memref<52224xf32, #tpu.memory_space<vmem>>, vector<16xf32>,
      %get3A_316 = vector.shape_cast %get3A_315 : vector<16xf32> to vector<16xf32>
      %get3A_317 = arith.constant 512 : index
      %get3A_318 = tpu.vector_load %arg5[%get3A_317] {strides = array<i32>} : memref<52224xf32, #tpu.memory_space<vmem>>, vector<16xf32>,
      %get3A_319 = vector.shape_cast %get3A_318 : vector<16xf32> to vector<16xf32>
      %get3A_320 = arith.constant 528 : index
      %get3A_321 = tpu.vector_load %arg5[%get3A_320] {strides = array<i32>} : memref<52224xf32, #tpu.memory_space<vmem>>, vector<16xf32>,
      %get3A_322 = vector.shape_cast %get3A_321 : vector<16xf32> to vector<16xf32>
      %get3A_323 = arith.constant 544 : index
      %get3A_324 = tpu.vector_load %arg5[%get3A_323] {strides = array<i32>} : memref<52224xf32, #tpu.memory_space<vmem>>, vector<16xf32>,
      %get3A_325 = vector.shape_cast %get3A_324 : vector<16xf32> to vector<16xf32>
      %get3A_326 = arith.constant 560 : index
      %get3A_327 = tpu.vector_load %arg5[%get3A_326] {strides = array<i32>} : memref<52224xf32, #tpu.memory_space<vmem>>, vector<16xf32>,
      %get3A_328 = vector.shape_cast %get3A_327 : vector<16xf32> to vector<16xf32>
      %get3A_329 = arith.constant 576 : index
      %get3A_330 = tpu.vector_load %arg5[%get3A_329] {strides = array<i32>} : memref<52224xf32, #tpu.memory_space<vmem>>, vector<16xf32>,
      %get3A_331 = vector.shape_cast %get3A_330 : vector<16xf32> to vector<16xf32>
      %get3A_332 = arith.constant 592 : index
      %get3A_333 = tpu.vector_load %arg5[%get3A_332] {strides = array<i32>} : memref<52224xf32, #tpu.memory_space<vmem>>, vector<16xf32>,
      %get3A_334 = vector.shape_cast %get3A_333 : vector<16xf32> to vector<16xf32>
      %get3A_335 = arith.constant 608 : index
      %get3A_336 = tpu.vector_load %arg5[%get3A_335] {strides = array<i32>} : memref<52224xf32, #tpu.memory_space<vmem>>, vector<16xf32>,
      %get3A_337 = vector.shape_cast %get3A_336 : vector<16xf32> to vector<16xf32>
      %get3A_338 = arith.constant 624 : index
      %get3A_339 = tpu.vector_load %arg5[%get3A_338] {strides = array<i32>} : memref<52224xf32, #tpu.memory_space<vmem>>, vector<16xf32>,
      %get3A_340 = vector.shape_cast %get3A_339 : vector<16xf32> to vector<16xf32>
      %get3A_341 = arith.constant 640 : index
      %get3A_342 = tpu.vector_load %arg5[%get3A_341] {strides = array<i32>} : memref<52224xf32, #tpu.memory_space<vmem>>, vector<16xf32>,
      %get3A_343 = vector.shape_cast %get3A_342 : vector<16xf32> to vector<16xf32>
      %get3A_344 = arith.constant 656 : index
      %get3A_345 = tpu.vector_load %arg5[%get3A_344] {strides = array<i32>} : memref<52224xf32, #tpu.memory_space<vmem>>, vector<16xf32>,
      %get3A_346 = vector.shape_cast %get3A_345 : vector<16xf32> to vector<16xf32>
      %get3A_347 = arith.constant 672 : index
      %get3A_348 = tpu.vector_load %arg5[%get3A_347] {strides = array<i32>} : memref<52224xf32, #tpu.memory_space<vmem>>, vector<16xf32>,
      %get3A_349 = vector.shape_cast %get3A_348 : vector<16xf32> to vector<16xf32>
      %get3A_350 = arith.constant 688 : index
      %get3A_351 = tpu.vector_load %arg5[%get3A_350] {strides = array<i32>} : memref<52224xf32, #tpu.memory_space<vmem>>, vector<16xf32>,
      %get3A_352 = vector.shape_cast %get3A_351 : vector<16xf32> to vector<16xf32>
      %get3A_353 = arith.constant 704 : index
      %get3A_354 = tpu.vector_load %arg5[%get3A_353] {strides = array<i32>} : memref<52224xf32, #tpu.memory_space<vmem>>, vector<16xf32>,
      %get3A_355 = vector.shape_cast %get3A_354 : vector<16xf32> to vector<16xf32>
      %get3A_356 = arith.constant 720 : index
      %get3A_357 = tpu.vector_load %arg5[%get3A_356] {strides = array<i32>} : memref<52224xf32, #tpu.memory_space<vmem>>, vector<16xf32>,
      %get3A_358 = vector.shape_cast %get3A_357 : vector<16xf32> to vector<16xf32>
      %get3A_359 = arith.constant 736 : index
      %get3A_360 = tpu.vector_load %arg5[%get3A_359] {strides = array<i32>} : memref<52224xf32, #tpu.memory_space<vmem>>, vector<16xf32>,
      %get3A_361 = vector.shape_cast %get3A_360 : vector<16xf32> to vector<16xf32>
      %get3A_362 = arith.constant 752 : index
      %get3A_363 = tpu.vector_load %arg5[%get3A_362] {strides = array<i32>} : memref<52224xf32, #tpu.memory_space<vmem>>, vector<16xf32>,
      %get3A_364 = vector.shape_cast %get3A_363 : vector<16xf32> to vector<16xf32>
      %scan3A = arith.constant 0 : i32
      %scan3A_365 = arith.constant 1 : i32
      %scan3A_366 = arith.constant 67 : i32
      %scan3A_367 = arith.addi %scan3A_365, %scan3A_366 : i32
      %scan3A_368 = arith.constant 1 : i32
      %scan3A_369 = scf.for %scan3A_403 = %scan3A_365 to %scan3A_367 step %scan3A_368 iter_args(%scan3A_404 = %scan3A) -> (i32)  : i32 {
        %mul3A_405 = arith.constant 768 : i32
        %mul3A_406 = arith.muli %scan3A_403, %mul3A_405 : i32
        %add3A_407 = arith.constant 0 : i32
        %add3A_408 = arith.addi %mul3A_406, %add3A_407 : i32
        %swap3A = arith.index_cast %add3A_408 : i32 to index
        %swap3A_409 = tpu.vector_load %arg5[%swap3A] {strides = array<i32>} : memref<52224xf32, #tpu.memory_space<vmem>>, vector<16xf32>,
        %swap3A_410 = vector.shape_cast %swap3A_409 : vector<16xf32> to vector<16xf32>
        %swap3A_411 = vector.shape_cast %get3A_223 : vector<16xf32> to vector<16xf32>
        tpu.vector_store %arg5[%swap3A], %swap3A_411 {strides = array<i32>} : memref<52224xf32, #tpu.memory_space<vmem>>, vector<16xf32>,
        %mul3A_412 = arith.constant 768 : i32
        %mul3A_413 = arith.muli %scan3A_403, %mul3A_412 : i32
        %add3A_414 = arith.constant 16 : i32
        %add3A_415 = arith.addi %mul3A_413, %add3A_414 : i32
        %swap3A_416 = arith.index_cast %add3A_415 : i32 to index
        %swap3A_417 = tpu.vector_load %arg5[%swap3A_416] {strides = array<i32>} : memref<52224xf32, #tpu.memory_space<vmem>>, vector<16xf32>,
        %swap3A_418 = vector.shape_cast %swap3A_417 : vector<16xf32> to vector<16xf32>
        %swap3A_419 = vector.shape_cast %get3A_226 : vector<16xf32> to vector<16xf32>
        tpu.vector_store %arg5[%swap3A_416], %swap3A_419 {strides = array<i32>} : memref<52224xf32, #tpu.memory_space<vmem>>, vector<16xf32>,
        %mul3A_420 = arith.constant 768 : i32
        %mul3A_421 = arith.muli %scan3A_403, %mul3A_420 : i32
        %add3A_422 = arith.constant 32 : i32
        %add3A_423 = arith.addi %mul3A_421, %add3A_422 : i32
        %swap3A_424 = arith.index_cast %add3A_423 : i32 to index
        %swap3A_425 = tpu.vector_load %arg5[%swap3A_424] {strides = array<i32>} : memref<52224xf32, #tpu.memory_space<vmem>>, vector<16xf32>,
        %swap3A_426 = vector.shape_cast %swap3A_425 : vector<16xf32> to vector<16xf32>
        %swap3A_427 = vector.shape_cast %get3A_229 : vector<16xf32> to vector<16xf32>
        tpu.vector_store %arg5[%swap3A_424], %swap3A_427 {strides = array<i32>} : memref<52224xf32, #tpu.memory_space<vmem>>, vector<16xf32>,
        %mul3A_428 = arith.constant 768 : i32
        %mul3A_429 = arith.muli %scan3A_403, %mul3A_428 : i32
        %add3A_430 = arith.constant 48 : i32
        %add3A_431 = arith.addi %mul3A_429, %add3A_430 : i32
        %swap3A_432 = arith.index_cast %add3A_431 : i32 to index
        %swap3A_433 = tpu.vector_load %arg5[%swap3A_432] {strides = array<i32>} : memref<52224xf32, #tpu.memory_space<vmem>>, vector<16xf32>,
        %swap3A_434 = vector.shape_cast %swap3A_433 : vector<16xf32> to vector<16xf32>
        %swap3A_435 = vector.shape_cast %get3A_232 : vector<16xf32> to vector<16xf32>
        tpu.vector_store %arg5[%swap3A_432], %swap3A_435 {strides = array<i32>} : memref<52224xf32, #tpu.memory_space<vmem>>, vector<16xf32>,
        %mul3A_436 = arith.constant 768 : i32
        %mul3A_437 = arith.muli %scan3A_403, %mul3A_436 : i32
        %add3A_438 = arith.constant 64 : i32
        %add3A_439 = arith.addi %mul3A_437, %add3A_438 : i32
        %swap3A_440 = arith.index_cast %add3A_439 : i32 to index
        %swap3A_441 = tpu.vector_load %arg5[%swap3A_440] {strides = array<i32>} : memref<52224xf32, #tpu.memory_space<vmem>>, vector<16xf32>,
        %swap3A_442 = vector.shape_cast %swap3A_441 : vector<16xf32> to vector<16xf32>
        %swap3A_443 = vector.shape_cast %get3A_235 : vector<16xf32> to vector<16xf32>
        tpu.vector_store %arg5[%swap3A_440], %swap3A_443 {strides = array<i32>} : memref<52224xf32, #tpu.memory_space<vmem>>, vector<16xf32>,
        %mul3A_444 = arith.constant 768 : i32
        %mul3A_445 = arith.muli %scan3A_403, %mul3A_444 : i32
        %add3A_446 = arith.constant 80 : i32
        %add3A_447 = arith.addi %mul3A_445, %add3A_446 : i32
        %swap3A_448 = arith.index_cast %add3A_447 : i32 to index
        %swap3A_449 = tpu.vector_load %arg5[%swap3A_448] {strides = array<i32>} : memref<52224xf32, #tpu.memory_space<vmem>>, vector<16xf32>,
        %swap3A_450 = vector.shape_cast %swap3A_449 : vector<16xf32> to vector<16xf32>
        %swap3A_451 = vector.shape_cast %get3A_238 : vector<16xf32> to vector<16xf32>
        tpu.vector_store %arg5[%swap3A_448], %swap3A_451 {strides = array<i32>} : memref<52224xf32, #tpu.memory_space<vmem>>, vector<16xf32>,
        %mul3A_452 = arith.constant 768 : i32
        %mul3A_453 = arith.muli %scan3A_403, %mul3A_452 : i32
        %add3A_454 = arith.constant 96 : i32
        %add3A_455 = arith.addi %mul3A_453, %add3A_454 : i32
        %swap3A_456 = arith.index_cast %add3A_455 : i32 to index
        %swap3A_457 = tpu.vector_load %arg5[%swap3A_456] {strides = array<i32>} : memref<52224xf32, #tpu.memory_space<vmem>>, vector<16xf32>,
        %swap3A_458 = vector.shape_cast %swap3A_457 : vector<16xf32> to vector<16xf32>
        %swap3A_459 = vector.shape_cast %get3A_241 : vector<16xf32> to vector<16xf32>
        tpu.vector_store %arg5[%swap3A_456], %swap3A_459 {strides = array<i32>} : memref<52224xf32, #tpu.memory_space<vmem>>, vector<16xf32>,
        %mul3A_460 = arith.constant 768 : i32
        %mul3A_461 = arith.muli %scan3A_403, %mul3A_460 : i32
        %add3A_462 = arith.constant 112 : i32
        %add3A_463 = arith.addi %mul3A_461, %add3A_462 : i32
        %swap3A_464 = arith.index_cast %add3A_463 : i32 to index
        %swap3A_465 = tpu.vector_load %arg5[%swap3A_464] {strides = array<i32>} : memref<52224xf32, #tpu.memory_space<vmem>>, vector<16xf32>,
        %swap3A_466 = vector.shape_cast %swap3A_465 : vector<16xf32> to vector<16xf32>
        %swap3A_467 = vector.shape_cast %get3A_244 : vector<16xf32> to vector<16xf32>
        tpu.vector_store %arg5[%swap3A_464], %swap3A_467 {strides = array<i32>} : memref<52224xf32, #tpu.memory_space<vmem>>, vector<16xf32>,
        %mul3A_468 = arith.constant 768 : i32
        %mul3A_469 = arith.muli %scan3A_403, %mul3A_468 : i32
        %add3A_470 = arith.constant 128 : i32
        %add3A_471 = arith.addi %mul3A_469, %add3A_470 : i32
        %swap3A_472 = arith.index_cast %add3A_471 : i32 to index
        %swap3A_473 = tpu.vector_load %arg5[%swap3A_472] {strides = array<i32>} : memref<52224xf32, #tpu.memory_space<vmem>>, vector<16xf32>,
        %swap3A_474 = vector.shape_cast %swap3A_473 : vector<16xf32> to vector<16xf32>
        %swap3A_475 = vector.shape_cast %get3A_247 : vector<16xf32> to vector<16xf32>
        tpu.vector_store %arg5[%swap3A_472], %swap3A_475 {strides = array<i32>} : memref<52224xf32, #tpu.memory_space<vmem>>, vector<16xf32>,
        %mul3A_476 = arith.constant 768 : i32
        %mul3A_477 = arith.muli %scan3A_403, %mul3A_476 : i32
        %add3A_478 = arith.constant 144 : i32
        %add3A_479 = arith.addi %mul3A_477, %add3A_478 : i32
        %swap3A_480 = arith.index_cast %add3A_479 : i32 to index
        %swap3A_481 = tpu.vector_load %arg5[%swap3A_480] {strides = array<i32>} : memref<52224xf32, #tpu.memory_space<vmem>>, vector<16xf32>,
        %swap3A_482 = vector.shape_cast %swap3A_481 : vector<16xf32> to vector<16xf32>
        %swap3A_483 = vector.shape_cast %get3A_250 : vector<16xf32> to vector<16xf32>
        tpu.vector_store %arg5[%swap3A_480], %swap3A_483 {strides = array<i32>} : memref<52224xf32, #tpu.memory_space<vmem>>, vector<16xf32>,
        %mul3A_484 = arith.constant 768 : i32
        %mul3A_485 = arith.muli %scan3A_403, %mul3A_484 : i32
        %add3A_486 = arith.constant 160 : i32
        %add3A_487 = arith.addi %mul3A_485, %add3A_486 : i32
        %swap3A_488 = arith.index_cast %add3A_487 : i32 to index
        %swap3A_489 = tpu.vector_load %arg5[%swap3A_488] {strides = array<i32>} : memref<52224xf32, #tpu.memory_space<vmem>>, vector<16xf32>,
        %swap3A_490 = vector.shape_cast %swap3A_489 : vector<16xf32> to vector<16xf32>
        %swap3A_491 = vector.shape_cast %get3A_253 : vector<16xf32> to vector<16xf32>
        tpu.vector_store %arg5[%swap3A_488], %swap3A_491 {strides = array<i32>} : memref<52224xf32, #tpu.memory_space<vmem>>, vector<16xf32>,
        %mul3A_492 = arith.constant 768 : i32
        %mul3A_493 = arith.muli %scan3A_403, %mul3A_492 : i32
        %add3A_494 = arith.constant 176 : i32
        %add3A_495 = arith.addi %mul3A_493, %add3A_494 : i32
        %swap3A_496 = arith.index_cast %add3A_495 : i32 to index
        %swap3A_497 = tpu.vector_load %arg5[%swap3A_496] {strides = array<i32>} : memref<52224xf32, #tpu.memory_space<vmem>>, vector<16xf32>,
        %swap3A_498 = vector.shape_cast %swap3A_497 : vector<16xf32> to vector<16xf32>
        %swap3A_499 = vector.shape_cast %get3A_256 : vector<16xf32> to vector<16xf32>
        tpu.vector_store %arg5[%swap3A_496], %swap3A_499 {strides = array<i32>} : memref<52224xf32, #tpu.memory_space<vmem>>, vector<16xf32>,
        %mul3A_500 = arith.constant 768 : i32
        %mul3A_501 = arith.muli %scan3A_403, %mul3A_500 : i32
        %add3A_502 = arith.constant 192 : i32
        %add3A_503 = arith.addi %mul3A_501, %add3A_502 : i32
        %swap3A_504 = arith.index_cast %add3A_503 : i32 to index
        %swap3A_505 = tpu.vector_load %arg5[%swap3A_504] {strides = array<i32>} : memref<52224xf32, #tpu.memory_space<vmem>>, vector<16xf32>,
        %swap3A_506 = vector.shape_cast %swap3A_505 : vector<16xf32> to vector<16xf32>
        %swap3A_507 = vector.shape_cast %get3A_259 : vector<16xf32> to vector<16xf32>
        tpu.vector_store %arg5[%swap3A_504], %swap3A_507 {strides = array<i32>} : memref<52224xf32, #tpu.memory_space<vmem>>, vector<16xf32>,
        %mul3A_508 = arith.constant 768 : i32
        %mul3A_509 = arith.muli %scan3A_403, %mul3A_508 : i32
        %add3A_510 = arith.constant 208 : i32
        %add3A_511 = arith.addi %mul3A_509, %add3A_510 : i32
        %swap3A_512 = arith.index_cast %add3A_511 : i32 to index
        %swap3A_513 = tpu.vector_load %arg5[%swap3A_512] {strides = array<i32>} : memref<52224xf32, #tpu.memory_space<vmem>>, vector<16xf32>,
        %swap3A_514 = vector.shape_cast %swap3A_513 : vector<16xf32> to vector<16xf32>
        %swap3A_515 = vector.shape_cast %get3A_262 : vector<16xf32> to vector<16xf32>
        tpu.vector_store %arg5[%swap3A_512], %swap3A_515 {strides = array<i32>} : memref<52224xf32, #tpu.memory_space<vmem>>, vector<16xf32>,
        %mul3A_516 = arith.constant 768 : i32
        %mul3A_517 = arith.muli %scan3A_403, %mul3A_516 : i32
        %add3A_518 = arith.constant 224 : i32
        %add3A_519 = arith.addi %mul3A_517, %add3A_518 : i32
        %swap3A_520 = arith.index_cast %add3A_519 : i32 to index
        %swap3A_521 = tpu.vector_load %arg5[%swap3A_520] {strides = array<i32>} : memref<52224xf32, #tpu.memory_space<vmem>>, vector<16xf32>,
        %swap3A_522 = vector.shape_cast %swap3A_521 : vector<16xf32> to vector<16xf32>
        %swap3A_523 = vector.shape_cast %get3A_265 : vector<16xf32> to vector<16xf32>
        tpu.vector_store %arg5[%swap3A_520], %swap3A_523 {strides = array<i32>} : memref<52224xf32, #tpu.memory_space<vmem>>, vector<16xf32>,
        %mul3A_524 = arith.constant 768 : i32
        %mul3A_525 = arith.muli %scan3A_403, %mul3A_524 : i32
        %add3A_526 = arith.constant 240 : i32
        %add3A_527 = arith.addi %mul3A_525, %add3A_526 : i32
        %swap3A_528 = arith.index_cast %add3A_527 : i32 to index
        %swap3A_529 = tpu.vector_load %arg5[%swap3A_528] {strides = array<i32>} : memref<52224xf32, #tpu.memory_space<vmem>>, vector<16xf32>,
        %swap3A_530 = vector.shape_cast %swap3A_529 : vector<16xf32> to vector<16xf32>
        %swap3A_531 = vector.shape_cast %get3A_268 : vector<16xf32> to vector<16xf32>
        tpu.vector_store %arg5[%swap3A_528], %swap3A_531 {strides = array<i32>} : memref<52224xf32, #tpu.memory_space<vmem>>, vector<16xf32>,
        %mul3A_532 = arith.constant 768 : i32
        %mul3A_533 = arith.muli %scan3A_403, %mul3A_532 : i32
        %add3A_534 = arith.constant 256 : i32
        %add3A_535 = arith.addi %mul3A_533, %add3A_534 : i32
        %swap3A_536 = arith.index_cast %add3A_535 : i32 to index
        %swap3A_537 = tpu.vector_load %arg5[%swap3A_536] {strides = array<i32>} : memref<52224xf32, #tpu.memory_space<vmem>>, vector<16xf32>,
        %swap3A_538 = vector.shape_cast %swap3A_537 : vector<16xf32> to vector<16xf32>
        %swap3A_539 = vector.shape_cast %get3A_271 : vector<16xf32> to vector<16xf32>
        tpu.vector_store %arg5[%swap3A_536], %swap3A_539 {strides = array<i32>} : memref<52224xf32, #tpu.memory_space<vmem>>, vector<16xf32>,
        %mul3A_540 = arith.constant 768 : i32
        %mul3A_541 = arith.muli %scan3A_403, %mul3A_540 : i32
        %add3A_542 = arith.constant 272 : i32
        %add3A_543 = arith.addi %mul3A_541, %add3A_542 : i32
        %swap3A_544 = arith.index_cast %add3A_543 : i32 to index
        %swap3A_545 = tpu.vector_load %arg5[%swap3A_544] {strides = array<i32>} : memref<52224xf32, #tpu.memory_space<vmem>>, vector<16xf32>,
        %swap3A_546 = vector.shape_cast %swap3A_545 : vector<16xf32> to vector<16xf32>
        %swap3A_547 = vector.shape_cast %get3A_274 : vector<16xf32> to vector<16xf32>
        tpu.vector_store %arg5[%swap3A_544], %swap3A_547 {strides = array<i32>} : memref<52224xf32, #tpu.memory_space<vmem>>, vector<16xf32>,
        %mul3A_548 = arith.constant 768 : i32
        %mul3A_549 = arith.muli %scan3A_403, %mul3A_548 : i32
        %add3A_550 = arith.constant 288 : i32
        %add3A_551 = arith.addi %mul3A_549, %add3A_550 : i32
        %swap3A_552 = arith.index_cast %add3A_551 : i32 to index
        %swap3A_553 = tpu.vector_load %arg5[%swap3A_552] {strides = array<i32>} : memref<52224xf32, #tpu.memory_space<vmem>>, vector<16xf32>,
        %swap3A_554 = vector.shape_cast %swap3A_553 : vector<16xf32> to vector<16xf32>
        %swap3A_555 = vector.shape_cast %get3A_277 : vector<16xf32> to vector<16xf32>
        tpu.vector_store %arg5[%swap3A_552], %swap3A_555 {strides = array<i32>} : memref<52224xf32, #tpu.memory_space<vmem>>, vector<16xf32>,
        %mul3A_556 = arith.constant 768 : i32
        %mul3A_557 = arith.muli %scan3A_403, %mul3A_556 : i32
        %add3A_558 = arith.constant 304 : i32
        %add3A_559 = arith.addi %mul3A_557, %add3A_558 : i32
        %swap3A_560 = arith.index_cast %add3A_559 : i32 to index
        %swap3A_561 = tpu.vector_load %arg5[%swap3A_560] {strides = array<i32>} : memref<52224xf32, #tpu.memory_space<vmem>>, vector<16xf32>,
        %swap3A_562 = vector.shape_cast %swap3A_561 : vector<16xf32> to vector<16xf32>
        %swap3A_563 = vector.shape_cast %get3A_280 : vector<16xf32> to vector<16xf32>
        tpu.vector_store %arg5[%swap3A_560], %swap3A_563 {strides = array<i32>} : memref<52224xf32, #tpu.memory_space<vmem>>, vector<16xf32>,
        %mul3A_564 = arith.constant 768 : i32
        %mul3A_565 = arith.muli %scan3A_403, %mul3A_564 : i32
        %add3A_566 = arith.constant 320 : i32
        %add3A_567 = arith.addi %mul3A_565, %add3A_566 : i32
        %swap3A_568 = arith.index_cast %add3A_567 : i32 to index
        %swap3A_569 = tpu.vector_load %arg5[%swap3A_568] {strides = array<i32>} : memref<52224xf32, #tpu.memory_space<vmem>>, vector<16xf32>,
        %swap3A_570 = vector.shape_cast %swap3A_569 : vector<16xf32> to vector<16xf32>
        %swap3A_571 = vector.shape_cast %get3A_283 : vector<16xf32> to vector<16xf32>
        tpu.vector_store %arg5[%swap3A_568], %swap3A_571 {strides = array<i32>} : memref<52224xf32, #tpu.memory_space<vmem>>, vector<16xf32>,
        %mul3A_572 = arith.constant 768 : i32
        %mul3A_573 = arith.muli %scan3A_403, %mul3A_572 : i32
        %add3A_574 = arith.constant 336 : i32
        %add3A_575 = arith.addi %mul3A_573, %add3A_574 : i32
        %swap3A_576 = arith.index_cast %add3A_575 : i32 to index
        %swap3A_577 = tpu.vector_load %arg5[%swap3A_576] {strides = array<i32>} : memref<52224xf32, #tpu.memory_space<vmem>>, vector<16xf32>,
        %swap3A_578 = vector.shape_cast %swap3A_577 : vector<16xf32> to vector<16xf32>
        %swap3A_579 = vector.shape_cast %get3A_286 : vector<16xf32> to vector<16xf32>
        tpu.vector_store %arg5[%swap3A_576], %swap3A_579 {strides = array<i32>} : memref<52224xf32, #tpu.memory_space<vmem>>, vector<16xf32>,
        %mul3A_580 = arith.constant 768 : i32
        %mul3A_581 = arith.muli %scan3A_403, %mul3A_580 : i32
        %add3A_582 = arith.constant 352 : i32
        %add3A_583 = arith.addi %mul3A_581, %add3A_582 : i32
        %swap3A_584 = arith.index_cast %add3A_583 : i32 to index
        %swap3A_585 = tpu.vector_load %arg5[%swap3A_584] {strides = array<i32>} : memref<52224xf32, #tpu.memory_space<vmem>>, vector<16xf32>,
        %swap3A_586 = vector.shape_cast %swap3A_585 : vector<16xf32> to vector<16xf32>
        %swap3A_587 = vector.shape_cast %get3A_289 : vector<16xf32> to vector<16xf32>
        tpu.vector_store %arg5[%swap3A_584], %swap3A_587 {strides = array<i32>} : memref<52224xf32, #tpu.memory_space<vmem>>, vector<16xf32>,
        %mul3A_588 = arith.constant 768 : i32
        %mul3A_589 = arith.muli %scan3A_403, %mul3A_588 : i32
        %add3A_590 = arith.constant 368 : i32
        %add3A_591 = arith.addi %mul3A_589, %add3A_590 : i32
        %swap3A_592 = arith.index_cast %add3A_591 : i32 to index
        %swap3A_593 = tpu.vector_load %arg5[%swap3A_592] {strides = array<i32>} : memref<52224xf32, #tpu.memory_space<vmem>>, vector<16xf32>,
        %swap3A_594 = vector.shape_cast %swap3A_593 : vector<16xf32> to vector<16xf32>
        %swap3A_595 = vector.shape_cast %get3A_292 : vector<16xf32> to vector<16xf32>
        tpu.vector_store %arg5[%swap3A_592], %swap3A_595 {strides = array<i32>} : memref<52224xf32, #tpu.memory_space<vmem>>, vector<16xf32>,
        %mul3A_596 = arith.constant 768 : i32
        %mul3A_597 = arith.muli %scan3A_403, %mul3A_596 : i32
        %add3A_598 = arith.constant 384 : i32
        %add3A_599 = arith.addi %mul3A_597, %add3A_598 : i32
        %swap3A_600 = arith.index_cast %add3A_599 : i32 to index
        %swap3A_601 = tpu.vector_load %arg5[%swap3A_600] {strides = array<i32>} : memref<52224xf32, #tpu.memory_space<vmem>>, vector<16xf32>,
        %swap3A_602 = vector.shape_cast %swap3A_601 : vector<16xf32> to vector<16xf32>
        %swap3A_603 = vector.shape_cast %get3A_295 : vector<16xf32> to vector<16xf32>
        tpu.vector_store %arg5[%swap3A_600], %swap3A_603 {strides = array<i32>} : memref<52224xf32, #tpu.memory_space<vmem>>, vector<16xf32>,
        %mul3A_604 = arith.constant 768 : i32
        %mul3A_605 = arith.muli %scan3A_403, %mul3A_604 : i32
        %add3A_606 = arith.constant 400 : i32
        %add3A_607 = arith.addi %mul3A_605, %add3A_606 : i32
        %swap3A_608 = arith.index_cast %add3A_607 : i32 to index
        %swap3A_609 = tpu.vector_load %arg5[%swap3A_608] {strides = array<i32>} : memref<52224xf32, #tpu.memory_space<vmem>>, vector<16xf32>,
        %swap3A_610 = vector.shape_cast %swap3A_609 : vector<16xf32> to vector<16xf32>
        %swap3A_611 = vector.shape_cast %get3A_298 : vector<16xf32> to vector<16xf32>
        tpu.vector_store %arg5[%swap3A_608], %swap3A_611 {strides = array<i32>} : memref<52224xf32, #tpu.memory_space<vmem>>, vector<16xf32>,
        %mul3A_612 = arith.constant 768 : i32
        %mul3A_613 = arith.muli %scan3A_403, %mul3A_612 : i32
        %add3A_614 = arith.constant 416 : i32
        %add3A_615 = arith.addi %mul3A_613, %add3A_614 : i32
        %swap3A_616 = arith.index_cast %add3A_615 : i32 to index
        %swap3A_617 = tpu.vector_load %arg5[%swap3A_616] {strides = array<i32>} : memref<52224xf32, #tpu.memory_space<vmem>>, vector<16xf32>,
        %swap3A_618 = vector.shape_cast %swap3A_617 : vector<16xf32> to vector<16xf32>
        %swap3A_619 = vector.shape_cast %get3A_301 : vector<16xf32> to vector<16xf32>
        tpu.vector_store %arg5[%swap3A_616], %swap3A_619 {strides = array<i32>} : memref<52224xf32, #tpu.memory_space<vmem>>, vector<16xf32>,
        %mul3A_620 = arith.constant 768 : i32
        %mul3A_621 = arith.muli %scan3A_403, %mul3A_620 : i32
        %add3A_622 = arith.constant 432 : i32
        %add3A_623 = arith.addi %mul3A_621, %add3A_622 : i32
        %swap3A_624 = arith.index_cast %add3A_623 : i32 to index
        %swap3A_625 = tpu.vector_load %arg5[%swap3A_624] {strides = array<i32>} : memref<52224xf32, #tpu.memory_space<vmem>>, vector<16xf32>,
        %swap3A_626 = vector.shape_cast %swap3A_625 : vector<16xf32> to vector<16xf32>
        %swap3A_627 = vector.shape_cast %get3A_304 : vector<16xf32> to vector<16xf32>
        tpu.vector_store %arg5[%swap3A_624], %swap3A_627 {strides = array<i32>} : memref<52224xf32, #tpu.memory_space<vmem>>, vector<16xf32>,
        %mul3A_628 = arith.constant 768 : i32
        %mul3A_629 = arith.muli %scan3A_403, %mul3A_628 : i32
        %add3A_630 = arith.constant 448 : i32
        %add3A_631 = arith.addi %mul3A_629, %add3A_630 : i32
        %swap3A_632 = arith.index_cast %add3A_631 : i32 to index
        %swap3A_633 = tpu.vector_load %arg5[%swap3A_632] {strides = array<i32>} : memref<52224xf32, #tpu.memory_space<vmem>>, vector<16xf32>,
        %swap3A_634 = vector.shape_cast %swap3A_633 : vector<16xf32> to vector<16xf32>
        %swap3A_635 = vector.shape_cast %get3A_307 : vector<16xf32> to vector<16xf32>
        tpu.vector_store %arg5[%swap3A_632], %swap3A_635 {strides = array<i32>} : memref<52224xf32, #tpu.memory_space<vmem>>, vector<16xf32>,
        %mul3A_636 = arith.constant 768 : i32
        %mul3A_637 = arith.muli %scan3A_403, %mul3A_636 : i32
        %add3A_638 = arith.constant 464 : i32
        %add3A_639 = arith.addi %mul3A_637, %add3A_638 : i32
        %swap3A_640 = arith.index_cast %add3A_639 : i32 to index
        %swap3A_641 = tpu.vector_load %arg5[%swap3A_640] {strides = array<i32>} : memref<52224xf32, #tpu.memory_space<vmem>>, vector<16xf32>,
        %swap3A_642 = vector.shape_cast %swap3A_641 : vector<16xf32> to vector<16xf32>
        %swap3A_643 = vector.shape_cast %get3A_310 : vector<16xf32> to vector<16xf32>
        tpu.vector_store %arg5[%swap3A_640], %swap3A_643 {strides = array<i32>} : memref<52224xf32, #tpu.memory_space<vmem>>, vector<16xf32>,
        %mul3A_644 = arith.constant 768 : i32
        %mul3A_645 = arith.muli %scan3A_403, %mul3A_644 : i32
        %add3A_646 = arith.constant 480 : i32
        %add3A_647 = arith.addi %mul3A_645, %add3A_646 : i32
        %swap3A_648 = arith.index_cast %add3A_647 : i32 to index
        %swap3A_649 = tpu.vector_load %arg5[%swap3A_648] {strides = array<i32>} : memref<52224xf32, #tpu.memory_space<vmem>>, vector<16xf32>,
        %swap3A_650 = vector.shape_cast %swap3A_649 : vector<16xf32> to vector<16xf32>
        %swap3A_651 = vector.shape_cast %get3A_313 : vector<16xf32> to vector<16xf32>
        tpu.vector_store %arg5[%swap3A_648], %swap3A_651 {strides = array<i32>} : memref<52224xf32, #tpu.memory_space<vmem>>, vector<16xf32>,
        %mul3A_652 = arith.constant 768 : i32
        %mul3A_653 = arith.muli %scan3A_403, %mul3A_652 : i32
        %add3A_654 = arith.constant 496 : i32
        %add3A_655 = arith.addi %mul3A_653, %add3A_654 : i32
        %swap3A_656 = arith.index_cast %add3A_655 : i32 to index
        %swap3A_657 = tpu.vector_load %arg5[%swap3A_656] {strides = array<i32>} : memref<52224xf32, #tpu.memory_space<vmem>>, vector<16xf32>,
        %swap3A_658 = vector.shape_cast %swap3A_657 : vector<16xf32> to vector<16xf32>
        %swap3A_659 = vector.shape_cast %get3A_316 : vector<16xf32> to vector<16xf32>
        tpu.vector_store %arg5[%swap3A_656], %swap3A_659 {strides = array<i32>} : memref<52224xf32, #tpu.memory_space<vmem>>, vector<16xf32>,
        %mul3A_660 = arith.constant 768 : i32
        %mul3A_661 = arith.muli %scan3A_403, %mul3A_660 : i32
        %add3A_662 = arith.constant 512 : i32
        %add3A_663 = arith.addi %mul3A_661, %add3A_662 : i32
        %swap3A_664 = arith.index_cast %add3A_663 : i32 to index
        %swap3A_665 = tpu.vector_load %arg5[%swap3A_664] {strides = array<i32>} : memref<52224xf32, #tpu.memory_space<vmem>>, vector<16xf32>,
        %swap3A_666 = vector.shape_cast %swap3A_665 : vector<16xf32> to vector<16xf32>
        %swap3A_667 = vector.shape_cast %get3A_319 : vector<16xf32> to vector<16xf32>
        tpu.vector_store %arg5[%swap3A_664], %swap3A_667 {strides = array<i32>} : memref<52224xf32, #tpu.memory_space<vmem>>, vector<16xf32>,
        %mul3A_668 = arith.constant 768 : i32
        %mul3A_669 = arith.muli %scan3A_403, %mul3A_668 : i32
        %add3A_670 = arith.constant 528 : i32
        %add3A_671 = arith.addi %mul3A_669, %add3A_670 : i32
        %swap3A_672 = arith.index_cast %add3A_671 : i32 to index
        %swap3A_673 = tpu.vector_load %arg5[%swap3A_672] {strides = array<i32>} : memref<52224xf32, #tpu.memory_space<vmem>>, vector<16xf32>,
        %swap3A_674 = vector.shape_cast %swap3A_673 : vector<16xf32> to vector<16xf32>
        %swap3A_675 = vector.shape_cast %get3A_322 : vector<16xf32> to vector<16xf32>
        tpu.vector_store %arg5[%swap3A_672], %swap3A_675 {strides = array<i32>} : memref<52224xf32, #tpu.memory_space<vmem>>, vector<16xf32>,
        %mul3A_676 = arith.constant 768 : i32
        %mul3A_677 = arith.muli %scan3A_403, %mul3A_676 : i32
        %add3A_678 = arith.constant 544 : i32
        %add3A_679 = arith.addi %mul3A_677, %add3A_678 : i32
        %swap3A_680 = arith.index_cast %add3A_679 : i32 to index
        %swap3A_681 = tpu.vector_load %arg5[%swap3A_680] {strides = array<i32>} : memref<52224xf32, #tpu.memory_space<vmem>>, vector<16xf32>,
        %swap3A_682 = vector.shape_cast %swap3A_681 : vector<16xf32> to vector<16xf32>
        %swap3A_683 = vector.shape_cast %get3A_325 : vector<16xf32> to vector<16xf32>
        tpu.vector_store %arg5[%swap3A_680], %swap3A_683 {strides = array<i32>} : memref<52224xf32, #tpu.memory_space<vmem>>, vector<16xf32>,
        %mul3A_684 = arith.constant 768 : i32
        %mul3A_685 = arith.muli %scan3A_403, %mul3A_684 : i32
        %add3A_686 = arith.constant 560 : i32
        %add3A_687 = arith.addi %mul3A_685, %add3A_686 : i32
        %swap3A_688 = arith.index_cast %add3A_687 : i32 to index
        %swap3A_689 = tpu.vector_load %arg5[%swap3A_688] {strides = array<i32>} : memref<52224xf32, #tpu.memory_space<vmem>>, vector<16xf32>,
        %swap3A_690 = vector.shape_cast %swap3A_689 : vector<16xf32> to vector<16xf32>
        %swap3A_691 = vector.shape_cast %get3A_328 : vector<16xf32> to vector<16xf32>
        tpu.vector_store %arg5[%swap3A_688], %swap3A_691 {strides = array<i32>} : memref<52224xf32, #tpu.memory_space<vmem>>, vector<16xf32>,
        %mul3A_692 = arith.constant 768 : i32
        %mul3A_693 = arith.muli %scan3A_403, %mul3A_692 : i32
        %add3A_694 = arith.constant 576 : i32
        %add3A_695 = arith.addi %mul3A_693, %add3A_694 : i32
        %swap3A_696 = arith.index_cast %add3A_695 : i32 to index
        %swap3A_697 = tpu.vector_load %arg5[%swap3A_696] {strides = array<i32>} : memref<52224xf32, #tpu.memory_space<vmem>>, vector<16xf32>,
        %swap3A_698 = vector.shape_cast %swap3A_697 : vector<16xf32> to vector<16xf32>
        %swap3A_699 = vector.shape_cast %get3A_331 : vector<16xf32> to vector<16xf32>
        tpu.vector_store %arg5[%swap3A_696], %swap3A_699 {strides = array<i32>} : memref<52224xf32, #tpu.memory_space<vmem>>, vector<16xf32>,
        %mul3A_700 = arith.constant 768 : i32
        %mul3A_701 = arith.muli %scan3A_403, %mul3A_700 : i32
        %add3A_702 = arith.constant 592 : i32
        %add3A_703 = arith.addi %mul3A_701, %add3A_702 : i32
        %swap3A_704 = arith.index_cast %add3A_703 : i32 to index
        %swap3A_705 = tpu.vector_load %arg5[%swap3A_704] {strides = array<i32>} : memref<52224xf32, #tpu.memory_space<vmem>>, vector<16xf32>,
        %swap3A_706 = vector.shape_cast %swap3A_705 : vector<16xf32> to vector<16xf32>
        %swap3A_707 = vector.shape_cast %get3A_334 : vector<16xf32> to vector<16xf32>
        tpu.vector_store %arg5[%swap3A_704], %swap3A_707 {strides = array<i32>} : memref<52224xf32, #tpu.memory_space<vmem>>, vector<16xf32>,
        %mul3A_708 = arith.constant 768 : i32
        %mul3A_709 = arith.muli %scan3A_403, %mul3A_708 : i32
        %add3A_710 = arith.constant 608 : i32
        %add3A_711 = arith.addi %mul3A_709, %add3A_710 : i32
        %swap3A_712 = arith.index_cast %add3A_711 : i32 to index
        %swap3A_713 = tpu.vector_load %arg5[%swap3A_712] {strides = array<i32>} : memref<52224xf32, #tpu.memory_space<vmem>>, vector<16xf32>,
        %swap3A_714 = vector.shape_cast %swap3A_713 : vector<16xf32> to vector<16xf32>
        %swap3A_715 = vector.shape_cast %get3A_337 : vector<16xf32> to vector<16xf32>
        tpu.vector_store %arg5[%swap3A_712], %swap3A_715 {strides = array<i32>} : memref<52224xf32, #tpu.memory_space<vmem>>, vector<16xf32>,
        %mul3A_716 = arith.constant 768 : i32
        %mul3A_717 = arith.muli %scan3A_403, %mul3A_716 : i32
        %add3A_718 = arith.constant 624 : i32
        %add3A_719 = arith.addi %mul3A_717, %add3A_718 : i32
        %swap3A_720 = arith.index_cast %add3A_719 : i32 to index
        %swap3A_721 = tpu.vector_load %arg5[%swap3A_720] {strides = array<i32>} : memref<52224xf32, #tpu.memory_space<vmem>>, vector<16xf32>,
        %swap3A_722 = vector.shape_cast %swap3A_721 : vector<16xf32> to vector<16xf32>
        %swap3A_723 = vector.shape_cast %get3A_340 : vector<16xf32> to vector<16xf32>
        tpu.vector_store %arg5[%swap3A_720], %swap3A_723 {strides = array<i32>} : memref<52224xf32, #tpu.memory_space<vmem>>, vector<16xf32>,
        %mul3A_724 = arith.constant 768 : i32
        %mul3A_725 = arith.muli %scan3A_403, %mul3A_724 : i32
        %add3A_726 = arith.constant 640 : i32
        %add3A_727 = arith.addi %mul3A_725, %add3A_726 : i32
        %swap3A_728 = arith.index_cast %add3A_727 : i32 to index
        %swap3A_729 = tpu.vector_load %arg5[%swap3A_728] {strides = array<i32>} : memref<52224xf32, #tpu.memory_space<vmem>>, vector<16xf32>,
        %swap3A_730 = vector.shape_cast %swap3A_729 : vector<16xf32> to vector<16xf32>
        %swap3A_731 = vector.shape_cast %get3A_343 : vector<16xf32> to vector<16xf32>
        tpu.vector_store %arg5[%swap3A_728], %swap3A_731 {strides = array<i32>} : memref<52224xf32, #tpu.memory_space<vmem>>, vector<16xf32>,
        %mul3A_732 = arith.constant 768 : i32
        %mul3A_733 = arith.muli %scan3A_403, %mul3A_732 : i32
        %add3A_734 = arith.constant 656 : i32
        %add3A_735 = arith.addi %mul3A_733, %add3A_734 : i32
        %swap3A_736 = arith.index_cast %add3A_735 : i32 to index
        %swap3A_737 = tpu.vector_load %arg5[%swap3A_736] {strides = array<i32>} : memref<52224xf32, #tpu.memory_space<vmem>>, vector<16xf32>,
        %swap3A_738 = vector.shape_cast %swap3A_737 : vector<16xf32> to vector<16xf32>
        %swap3A_739 = vector.shape_cast %get3A_346 : vector<16xf32> to vector<16xf32>
        tpu.vector_store %arg5[%swap3A_736], %swap3A_739 {strides = array<i32>} : memref<52224xf32, #tpu.memory_space<vmem>>, vector<16xf32>,
        %mul3A_740 = arith.constant 768 : i32
        %mul3A_741 = arith.muli %scan3A_403, %mul3A_740 : i32
        %add3A_742 = arith.constant 672 : i32
        %add3A_743 = arith.addi %mul3A_741, %add3A_742 : i32
        %swap3A_744 = arith.index_cast %add3A_743 : i32 to index
        %swap3A_745 = tpu.vector_load %arg5[%swap3A_744] {strides = array<i32>} : memref<52224xf32, #tpu.memory_space<vmem>>, vector<16xf32>,
        %swap3A_746 = vector.shape_cast %swap3A_745 : vector<16xf32> to vector<16xf32>
        %swap3A_747 = vector.shape_cast %get3A_349 : vector<16xf32> to vector<16xf32>
        tpu.vector_store %arg5[%swap3A_744], %swap3A_747 {strides = array<i32>} : memref<52224xf32, #tpu.memory_space<vmem>>, vector<16xf32>,
        %mul3A_748 = arith.constant 768 : i32
        %mul3A_749 = arith.muli %scan3A_403, %mul3A_748 : i32
        %add3A_750 = arith.constant 688 : i32
        %add3A_751 = arith.addi %mul3A_749, %add3A_750 : i32
        %swap3A_752 = arith.index_cast %add3A_751 : i32 to index
        %swap3A_753 = tpu.vector_load %arg5[%swap3A_752] {strides = array<i32>} : memref<52224xf32, #tpu.memory_space<vmem>>, vector<16xf32>,
        %swap3A_754 = vector.shape_cast %swap3A_753 : vector<16xf32> to vector<16xf32>
        %swap3A_755 = vector.shape_cast %get3A_352 : vector<16xf32> to vector<16xf32>
        tpu.vector_store %arg5[%swap3A_752], %swap3A_755 {strides = array<i32>} : memref<52224xf32, #tpu.memory_space<vmem>>, vector<16xf32>,
        %mul3A_756 = arith.constant 768 : i32
        %mul3A_757 = arith.muli %scan3A_403, %mul3A_756 : i32
        %add3A_758 = arith.constant 704 : i32
        %add3A_759 = arith.addi %mul3A_757, %add3A_758 : i32
        %swap3A_760 = arith.index_cast %add3A_759 : i32 to index
        %swap3A_761 = tpu.vector_load %arg5[%swap3A_760] {strides = array<i32>} : memref<52224xf32, #tpu.memory_space<vmem>>, vector<16xf32>,
        %swap3A_762 = vector.shape_cast %swap3A_761 : vector<16xf32> to vector<16xf32>
        %swap3A_763 = vector.shape_cast %get3A_355 : vector<16xf32> to vector<16xf32>
        tpu.vector_store %arg5[%swap3A_760], %swap3A_763 {strides = array<i32>} : memref<52224xf32, #tpu.memory_space<vmem>>, vector<16xf32>,
        %mul3A_764 = arith.constant 768 : i32
        %mul3A_765 = arith.muli %scan3A_403, %mul3A_764 : i32
        %add3A_766 = arith.constant 720 : i32
        %add3A_767 = arith.addi %mul3A_765, %add3A_766 : i32
        %swap3A_768 = arith.index_cast %add3A_767 : i32 to index
        %swap3A_769 = tpu.vector_load %arg5[%swap3A_768] {strides = array<i32>} : memref<52224xf32, #tpu.memory_space<vmem>>, vector<16xf32>,
        %swap3A_770 = vector.shape_cast %swap3A_769 : vector<16xf32> to vector<16xf32>
        %swap3A_771 = vector.shape_cast %get3A_358 : vector<16xf32> to vector<16xf32>
        tpu.vector_store %arg5[%swap3A_768], %swap3A_771 {strides = array<i32>} : memref<52224xf32, #tpu.memory_space<vmem>>, vector<16xf32>,
        %mul3A_772 = arith.constant 768 : i32
        %mul3A_773 = arith.muli %scan3A_403, %mul3A_772 : i32
        %add3A_774 = arith.constant 736 : i32
        %add3A_775 = arith.addi %mul3A_773, %add3A_774 : i32
        %swap3A_776 = arith.index_cast %add3A_775 : i32 to index
        %swap3A_777 = tpu.vector_load %arg5[%swap3A_776] {strides = array<i32>} : memref<52224xf32, #tpu.memory_space<vmem>>, vector<16xf32>,
        %swap3A_778 = vector.shape_cast %swap3A_777 : vector<16xf32> to vector<16xf32>
        %swap3A_779 = vector.shape_cast %get3A_361 : vector<16xf32> to vector<16xf32>
        tpu.vector_store %arg5[%swap3A_776], %swap3A_779 {strides = array<i32>} : memref<52224xf32, #tpu.memory_space<vmem>>, vector<16xf32>,
        %mul3A_780 = arith.constant 768 : i32
        %mul3A_781 = arith.muli %scan3A_403, %mul3A_780 : i32
        %add3A_782 = arith.constant 752 : i32
        %add3A_783 = arith.addi %mul3A_781, %add3A_782 : i32
        %swap3A_784 = arith.index_cast %add3A_783 : i32 to index
        %swap3A_785 = tpu.vector_load %arg5[%swap3A_784] {strides = array<i32>} : memref<52224xf32, #tpu.memory_space<vmem>>, vector<16xf32>,
        %swap3A_786 = vector.shape_cast %swap3A_785 : vector<16xf32> to vector<16xf32>
        %swap3A_787 = vector.shape_cast %get3A_364 : vector<16xf32> to vector<16xf32>
        tpu.vector_store %arg5[%swap3A_784], %swap3A_787 {strides = array<i32>} : memref<52224xf32, #tpu.memory_space<vmem>>, vector<16xf32>,
        %scan3A_788 = arith.constant 0 : i32
        scf.yield %scan3A_788 : i32
      }
      %scan3A_370 = arith.constant 67 : i32
      %dma_start3A_371 = arith.constant 0 : i32
      %dma_start3A_372 = tpu.memref_slice %arg5[%dma_start3A_371] : memref<52224xf32, #tpu.memory_space<vmem>> -> memref<52224xf32, #tpu.memory_space<vmem>>
      %dma_start3A_373 = arith.constant 417792 : i32
      %dma_start3A_374 = tpu.memref_slice %arg4[%dma_start3A_373] : memref<528384xf32, #tpu.memory_space<vmem_shared>> -> memref<52224xf32, #tpu.memory_space<vmem_shared>>
      %dma_start3A_375 = arith.constant 417792 : i32
      %dma_start3A_376 = tpu.memref_slice %arg4[%dma_start3A_375] : memref<528384xf32, #tpu.memory_space<vmem_shared>> -> memref<52224xf32, #tpu.memory_space<vmem_shared>>
      %dma_start3A_377 = arith.constant 0 : i32
      %dma_start3A_378 = tpu.memref_slice %arg5[%dma_start3A_377] : memref<52224xf32, #tpu.memory_space<vmem>> -> memref<52224xf32, #tpu.memory_space<vmem>>
      tpu.enqueue_dma source(%dma_start3A_378 : memref<52224xf32, #tpu.memory_space<vmem>>) target(%dma_start3A_376 : memref<52224xf32, #tpu.memory_space<vmem_shared>>) target_semaphore(%arg6 : memref<!tpu.dma_semaphore, #tpu.memory_space<semaphore_mem>>)
      %dma_wait3A_379 = arith.constant 0 : i32
      %dma_wait3A_380 = tpu.memref_slice %arg5[%dma_wait3A_379] : memref<52224xf32, #tpu.memory_space<vmem>> -> memref<52224xf32, #tpu.memory_space<vmem>>
      %dma_wait3A_381 = arith.constant 417792 : i32
      %dma_wait3A_382 = tpu.memref_slice %arg4[%dma_wait3A_381] : memref<528384xf32, #tpu.memory_space<vmem_shared>> -> memref<52224xf32, #tpu.memory_space<vmem_shared>>
      %dma_wait3A_383 = arith.constant 417792 : i32
      %dma_wait3A_384 = tpu.memref_slice %arg4[%dma_wait3A_383] : memref<528384xf32, #tpu.memory_space<vmem_shared>> -> memref<52224xf32, #tpu.memory_space<vmem_shared>>
      %dma_wait3A_385 = arith.constant 0 : i32
      %dma_wait3A_386 = tpu.memref_slice %arg5[%dma_wait3A_385] : memref<52224xf32, #tpu.memory_space<vmem>> -> memref<52224xf32, #tpu.memory_space<vmem>>
      tpu.wait_dma2 semaphore(%arg6 : memref<!tpu.dma_semaphore, #tpu.memory_space<semaphore_mem>>) src(%dma_wait3A_386 : memref<52224xf32, #tpu.memory_space<vmem>>) dst(%dma_wait3A_384 : memref<52224xf32, #tpu.memory_space<vmem_shared>>)
      %dma_start3A_387 = arith.constant 0 : i32
      %dma_start3A_388 = tpu.memref_slice %arg5[%dma_start3A_387] : memref<52224xf32, #tpu.memory_space<vmem>> -> memref<52224xf32, #tpu.memory_space<vmem>>
      %dma_start3A_389 = arith.constant 470016 : i32
      %dma_start3A_390 = tpu.memref_slice %arg4[%dma_start3A_389] : memref<528384xf32, #tpu.memory_space<vmem_shared>> -> memref<52224xf32, #tpu.memory_space<vmem_shared>>
      %dma_start3A_391 = arith.constant 470016 : i32
      %dma_start3A_392 = tpu.memref_slice %arg4[%dma_start3A_391] : memref<528384xf32, #tpu.memory_space<vmem_shared>> -> memref<52224xf32, #tpu.memory_space<vmem_shared>>
      %dma_start3A_393 = arith.constant 0 : i32
      %dma_start3A_394 = tpu.memref_slice %arg5[%dma_start3A_393] : memref<52224xf32, #tpu.memory_space<vmem>> -> memref<52224xf32, #tpu.memory_space<vmem>>
      tpu.enqueue_dma source(%dma_start3A_394 : memref<52224xf32, #tpu.memory_space<vmem>>) target(%dma_start3A_392 : memref<52224xf32, #tpu.memory_space<vmem_shared>>) target_semaphore(%arg6 : memref<!tpu.dma_semaphore, #tpu.memory_space<semaphore_mem>>)
      %dma_wait3A_395 = arith.constant 0 : i32
      %dma_wait3A_396 = tpu.memref_slice %arg5[%dma_wait3A_395] : memref<52224xf32, #tpu.memory_space<vmem>> -> memref<52224xf32, #tpu.memory_space<vmem>>
      %dma_wait3A_397 = arith.constant 470016 : i32
      %dma_wait3A_398 = tpu.memref_slice %arg4[%dma_wait3A_397] : memref<528384xf32, #tpu.memory_space<vmem_shared>> -> memref<52224xf32, #tpu.memory_space<vmem_shared>>
      %dma_wait3A_399 = arith.constant 470016 : i32
      %dma_wait3A_400 = tpu.memref_slice %arg4[%dma_wait3A_399] : memref<528384xf32, #tpu.memory_space<vmem_shared>> -> memref<52224xf32, #tpu.memory_space<vmem_shared>>
      %dma_wait3A_401 = arith.constant 0 : i32
      %dma_wait3A_402 = tpu.memref_slice %arg5[%dma_wait3A_401] : memref<52224xf32, #tpu.memory_space<vmem>> -> memref<52224xf32, #tpu.memory_space<vmem>>
      tpu.wait_dma2 semaphore(%arg6 : memref<!tpu.dma_semaphore, #tpu.memory_space<semaphore_mem>>) src(%dma_wait3A_402 : memref<52224xf32, #tpu.memory_space<vmem>>) dst(%dma_wait3A_400 : memref<52224xf32, #tpu.memory_space<vmem_shared>>)
    } else {
    }
    %barrier3A = arith.constant 0 : index
    tpu.barrier barrier_id(%barrier3A)
    %sub3A = arith.constant 32 : i32
    %sub3A_43 = arith.subi %sub3A, %add3A : i32
    %mul3A_44 = arith.constant 768 : i32
    %mul3A_45 = arith.muli %sub3A_43, %mul3A_44 : i32
    %mul3A_46 = arith.constant 2048 : i32
    %mul3A_47 = arith.muli %add3A, %mul3A_46 : i32
    %mul3A_48 = arith.constant 768 : i32
    %mul3A_49 = arith.muli %mul3A_47, %mul3A_48 : i32
    %mul3A_50 = arith.constant 2048 : i32
    %mul3A_51 = arith.muli %add3A, %mul3A_50 : i32
    %add3A_52 = arith.constant 552 : i32
    %add3A_53 = arith.addi %mul3A_51, %add3A_52 : i32
    %add3A_54 = arith.constant 0 : i32
    %add3A_55 = arith.addi %add3A_53, %add3A_54 : i32
    %mul3A_56 = arith.constant 768 : i32
    %mul3A_57 = arith.muli %add3A_55, %mul3A_56 : i32
    %mul3A_58 = arith.constant 2048 : i32
    %mul3A_59 = arith.muli %add3A, %mul3A_58 : i32
    %add3A_60 = arith.constant 552 : i32
    %add3A_61 = arith.addi %mul3A_59, %add3A_60 : i32
    %add3A_62 = arith.constant 136 : i32
    %add3A_63 = arith.addi %add3A_61, %add3A_62 : i32
    %mul3A_64 = arith.constant 768 : i32
    %mul3A_65 = arith.muli %add3A_63, %mul3A_64 : i32
    %mul3A_66 = arith.constant 2048 : i32
    %mul3A_67 = arith.muli %add3A, %mul3A_66 : i32
    %add3A_68 = arith.constant 552 : i32
    %add3A_69 = arith.addi %mul3A_67, %add3A_68 : i32
    %add3A_70 = arith.constant 272 : i32
    %add3A_71 = arith.addi %add3A_69, %add3A_70 : i32
    %mul3A_72 = arith.constant 768 : i32
    %mul3A_73 = arith.muli %add3A_71, %mul3A_72 : i32
    %mul3A_74 = arith.constant 2048 : i32
    %mul3A_75 = arith.muli %add3A, %mul3A_74 : i32
    %add3A_76 = arith.constant 552 : i32
    %add3A_77 = arith.addi %mul3A_75, %add3A_76 : i32
    %add3A_78 = arith.constant 408 : i32
    %add3A_79 = arith.addi %add3A_77, %add3A_78 : i32
    %mul3A_80 = arith.constant 768 : i32
    %mul3A_81 = arith.muli %add3A_79, %mul3A_80 : i32
    %mul3A_82 = arith.constant 2048 : i32
    %mul3A_83 = arith.muli %add3A, %mul3A_82 : i32
    %add3A_84 = arith.constant 552 : i32
    %add3A_85 = arith.addi %mul3A_83, %add3A_84 : i32
    %add3A_86 = arith.constant 544 : i32
    %add3A_87 = arith.addi %add3A_85, %add3A_86 : i32
    %mul3A_88 = arith.constant 768 : i32
    %mul3A_89 = arith.muli %add3A_87, %mul3A_88 : i32
    %mul3A_90 = arith.constant 2048 : i32
    %mul3A_91 = arith.muli %add3A, %mul3A_90 : i32
    %add3A_92 = arith.constant 552 : i32
    %add3A_93 = arith.addi %mul3A_91, %add3A_92 : i32
    %add3A_94 = arith.constant 680 : i32
    %add3A_95 = arith.addi %add3A_93, %add3A_94 : i32
    %mul3A_96 = arith.constant 768 : i32
    %mul3A_97 = arith.muli %add3A_95, %mul3A_96 : i32
    %mul3A_98 = arith.constant 2048 : i32
    %mul3A_99 = arith.muli %add3A, %mul3A_98 : i32
    %add3A_100 = arith.constant 552 : i32
    %add3A_101 = arith.addi %mul3A_99, %add3A_100 : i32
    %add3A_102 = arith.constant 816 : i32
    %add3A_103 = arith.addi %add3A_101, %add3A_102 : i32
    %mul3A_104 = arith.constant 768 : i32
    %mul3A_105 = arith.muli %add3A_103, %mul3A_104 : i32
    %mul3A_106 = arith.constant 2048 : i32
    %mul3A_107 = arith.muli %add3A, %mul3A_106 : i32
    %add3A_108 = arith.constant 552 : i32
    %add3A_109 = arith.addi %mul3A_107, %add3A_108 : i32
    %add3A_110 = arith.constant 952 : i32
    %add3A_111 = arith.addi %add3A_109, %add3A_110 : i32
    %mul3A_112 = arith.constant 768 : i32
    %mul3A_113 = arith.muli %add3A_111, %mul3A_112 : i32
    %mul3A_114 = arith.constant 2048 : i32
    %mul3A_115 = arith.muli %add3A, %mul3A_114 : i32
    %add3A_116 = arith.constant 552 : i32
    %add3A_117 = arith.addi %mul3A_115, %add3A_116 : i32
    %add3A_118 = arith.constant 1088 : i32
    %add3A_119 = arith.addi %add3A_117, %add3A_118 : i32
    %mul3A_120 = arith.constant 768 : i32
    %mul3A_121 = arith.muli %add3A_119, %mul3A_120 : i32
    %mul3A_122 = arith.constant 2048 : i32
    %mul3A_123 = arith.muli %add3A, %mul3A_122 : i32
    %add3A_124 = arith.constant 552 : i32
    %add3A_125 = arith.addi %mul3A_123, %add3A_124 : i32
    %add3A_126 = arith.constant 1224 : i32
    %add3A_127 = arith.addi %add3A_125, %add3A_126 : i32
    %mul3A_128 = arith.constant 768 : i32
    %mul3A_129 = arith.muli %add3A_127, %mul3A_128 : i32
    %mul3A_130 = arith.constant 2048 : i32
    %mul3A_131 = arith.muli %add3A, %mul3A_130 : i32
    %add3A_132 = arith.constant 552 : i32
    %add3A_133 = arith.addi %mul3A_131, %add3A_132 : i32
    %add3A_134 = arith.constant 1360 : i32
    %add3A_135 = arith.addi %add3A_133, %add3A_134 : i32
    %mul3A_136 = arith.constant 768 : i32
    %mul3A_137 = arith.muli %add3A_135, %mul3A_136 : i32
    %dma_start3A = tpu.memref_slice %arg3[%mul3A_49] : memref<50331648xf32, #tpu.memory_space<hbm>> -> memref<423936xf32, #tpu.memory_space<hbm>>
    %dma_start3A_138 = tpu.memref_slice %arg4[%mul3A_45] : memref<528384xf32, #tpu.memory_space<vmem_shared>> -> memref<423936xf32, #tpu.memory_space<vmem_shared>>
    tpu.enqueue_dma source(%dma_start3A_138 : memref<423936xf32, #tpu.memory_space<vmem_shared>>) target(%dma_start3A : memref<423936xf32, #tpu.memory_space<hbm>>) target_semaphore(%arg6 : memref<!tpu.dma_semaphore, #tpu.memory_space<semaphore_mem>>)
    %dma_start3A_139 = tpu.memref_slice %arg3[%mul3A_57] : memref<50331648xf32, #tpu.memory_space<hbm>> -> memref<104448xf32, #tpu.memory_space<hbm>>
    %dma_start3A_140 = arith.constant 417792 : i32
    %dma_start3A_141 = tpu.memref_slice %arg4[%dma_start3A_140] : memref<528384xf32, #tpu.memory_space<vmem_shared>> -> memref<104448xf32, #tpu.memory_space<vmem_shared>>
    tpu.enqueue_dma source(%dma_start3A_141 : memref<104448xf32, #tpu.memory_space<vmem_shared>>) target(%dma_start3A_139 : memref<104448xf32, #tpu.memory_space<hbm>>) target_semaphore(%arg6 : memref<!tpu.dma_semaphore, #tpu.memory_space<semaphore_mem>>)
    %dma_start3A_142 = tpu.memref_slice %arg3[%mul3A_65] : memref<50331648xf32, #tpu.memory_space<hbm>> -> memref<104448xf32, #tpu.memory_space<hbm>>
    %dma_start3A_143 = arith.constant 417792 : i32
    %dma_start3A_144 = tpu.memref_slice %arg4[%dma_start3A_143] : memref<528384xf32, #tpu.memory_space<vmem_shared>> -> memref<104448xf32, #tpu.memory_space<vmem_shared>>
    tpu.enqueue_dma source(%dma_start3A_144 : memref<104448xf32, #tpu.memory_space<vmem_shared>>) target(%dma_start3A_142 : memref<104448xf32, #tpu.memory_space<hbm>>) target_semaphore(%arg6 : memref<!tpu.dma_semaphore, #tpu.memory_space<semaphore_mem>>)
    %dma_start3A_145 = tpu.memref_slice %arg3[%mul3A_73] : memref<50331648xf32, #tpu.memory_space<hbm>> -> memref<104448xf32, #tpu.memory_space<hbm>>
    %dma_start3A_146 = arith.constant 417792 : i32
    %dma_start3A_147 = tpu.memref_slice %arg4[%dma_start3A_146] : memref<528384xf32, #tpu.memory_space<vmem_shared>> -> memref<104448xf32, #tpu.memory_space<vmem_shared>>
    tpu.enqueue_dma source(%dma_start3A_147 : memref<104448xf32, #tpu.memory_space<vmem_shared>>) target(%dma_start3A_145 : memref<104448xf32, #tpu.memory_space<hbm>>) target_semaphore(%arg6 : memref<!tpu.dma_semaphore, #tpu.memory_space<semaphore_mem>>)
    %dma_start3A_148 = tpu.memref_slice %arg3[%mul3A_81] : memref<50331648xf32, #tpu.memory_space<hbm>> -> memref<104448xf32, #tpu.memory_space<hbm>>
    %dma_start3A_149 = arith.constant 417792 : i32
    %dma_start3A_150 = tpu.memref_slice %arg4[%dma_start3A_149] : memref<528384xf32, #tpu.memory_space<vmem_shared>> -> memref<104448xf32, #tpu.memory_space<vmem_shared>>
    tpu.enqueue_dma source(%dma_start3A_150 : memref<104448xf32, #tpu.memory_space<vmem_shared>>) target(%dma_start3A_148 : memref<104448xf32, #tpu.memory_space<hbm>>) target_semaphore(%arg6 : memref<!tpu.dma_semaphore, #tpu.memory_space<semaphore_mem>>)
    %dma_start3A_151 = tpu.memref_slice %arg3[%mul3A_89] : memref<50331648xf32, #tpu.memory_space<hbm>> -> memref<104448xf32, #tpu.memory_space<hbm>>
    %dma_start3A_152 = arith.constant 417792 : i32
    %dma_start3A_153 = tpu.memref_slice %arg4[%dma_start3A_152] : memref<528384xf32, #tpu.memory_space<vmem_shared>> -> memref<104448xf32, #tpu.memory_space<vmem_shared>>
    tpu.enqueue_dma source(%dma_start3A_153 : memref<104448xf32, #tpu.memory_space<vmem_shared>>) target(%dma_start3A_151 : memref<104448xf32, #tpu.memory_space<hbm>>) target_semaphore(%arg6 : memref<!tpu.dma_semaphore, #tpu.memory_space<semaphore_mem>>)
    %dma_start3A_154 = tpu.memref_slice %arg3[%mul3A_97] : memref<50331648xf32, #tpu.memory_space<hbm>> -> memref<104448xf32, #tpu.memory_space<hbm>>
    %dma_start3A_155 = arith.constant 417792 : i32
    %dma_start3A_156 = tpu.memref_slice %arg4[%dma_start3A_155] : memref<528384xf32, #tpu.memory_space<vmem_shared>> -> memref<104448xf32, #tpu.memory_space<vmem_shared>>
    tpu.enqueue_dma source(%dma_start3A_156 : memref<104448xf32, #tpu.memory_space<vmem_shared>>) target(%dma_start3A_154 : memref<104448xf32, #tpu.memory_space<hbm>>) target_semaphore(%arg6 : memref<!tpu.dma_semaphore, #tpu.memory_space<semaphore_mem>>)
    %dma_start3A_157 = tpu.memref_slice %arg3[%mul3A_105] : memref<50331648xf32, #tpu.memory_space<hbm>> -> memref<104448xf32, #tpu.memory_space<hbm>>
    %dma_start3A_158 = arith.constant 417792 : i32
    %dma_start3A_159 = tpu.memref_slice %arg4[%dma_start3A_158] : memref<528384xf32, #tpu.memory_space<vmem_shared>> -> memref<104448xf32, #tpu.memory_space<vmem_shared>>
    tpu.enqueue_dma source(%dma_start3A_159 : memref<104448xf32, #tpu.memory_space<vmem_shared>>) target(%dma_start3A_157 : memref<104448xf32, #tpu.memory_space<hbm>>) target_semaphore(%arg6 : memref<!tpu.dma_semaphore, #tpu.memory_space<semaphore_mem>>)
    %dma_start3A_160 = tpu.memref_slice %arg3[%mul3A_113] : memref<50331648xf32, #tpu.memory_space<hbm>> -> memref<104448xf32, #tpu.memory_space<hbm>>
    %dma_start3A_161 = arith.constant 417792 : i32
    %dma_start3A_162 = tpu.memref_slice %arg4[%dma_start3A_161] : memref<528384xf32, #tpu.memory_space<vmem_shared>> -> memref<104448xf32, #tpu.memory_space<vmem_shared>>
    tpu.enqueue_dma source(%dma_start3A_162 : memref<104448xf32, #tpu.memory_space<vmem_shared>>) target(%dma_start3A_160 : memref<104448xf32, #tpu.memory_space<hbm>>) target_semaphore(%arg6 : memref<!tpu.dma_semaphore, #tpu.memory_space<semaphore_mem>>)
    %dma_start3A_163 = tpu.memref_slice %arg3[%mul3A_121] : memref<50331648xf32, #tpu.memory_space<hbm>> -> memref<104448xf32, #tpu.memory_space<hbm>>
    %dma_start3A_164 = arith.constant 417792 : i32
    %dma_start3A_165 = tpu.memref_slice %arg4[%dma_start3A_164] : memref<528384xf32, #tpu.memory_space<vmem_shared>> -> memref<104448xf32, #tpu.memory_space<vmem_shared>>
    tpu.enqueue_dma source(%dma_start3A_165 : memref<104448xf32, #tpu.memory_space<vmem_shared>>) target(%dma_start3A_163 : memref<104448xf32, #tpu.memory_space<hbm>>) target_semaphore(%arg6 : memref<!tpu.dma_semaphore, #tpu.memory_space<semaphore_mem>>)
    %dma_start3A_166 = tpu.memref_slice %arg3[%mul3A_129] : memref<50331648xf32, #tpu.memory_space<hbm>> -> memref<104448xf32, #tpu.memory_space<hbm>>
    %dma_start3A_167 = arith.constant 417792 : i32
    %dma_start3A_168 = tpu.memref_slice %arg4[%dma_start3A_167] : memref<528384xf32, #tpu.memory_space<vmem_shared>> -> memref<104448xf32, #tpu.memory_space<vmem_shared>>
    tpu.enqueue_dma source(%dma_start3A_168 : memref<104448xf32, #tpu.memory_space<vmem_shared>>) target(%dma_start3A_166 : memref<104448xf32, #tpu.memory_space<hbm>>) target_semaphore(%arg6 : memref<!tpu.dma_semaphore, #tpu.memory_space<semaphore_mem>>)
    %dma_start3A_169 = tpu.memref_slice %arg3[%mul3A_137] : memref<50331648xf32, #tpu.memory_space<hbm>> -> memref<104448xf32, #tpu.memory_space<hbm>>
    %dma_start3A_170 = arith.constant 417792 : i32
    %dma_start3A_171 = tpu.memref_slice %arg4[%dma_start3A_170] : memref<528384xf32, #tpu.memory_space<vmem_shared>> -> memref<104448xf32, #tpu.memory_space<vmem_shared>>
    tpu.enqueue_dma source(%dma_start3A_171 : memref<104448xf32, #tpu.memory_space<vmem_shared>>) target(%dma_start3A_169 : memref<104448xf32, #tpu.memory_space<hbm>>) target_semaphore(%arg6 : memref<!tpu.dma_semaphore, #tpu.memory_space<semaphore_mem>>)
    %dma_wait3A = tpu.memref_slice %arg3[%mul3A_49] : memref<50331648xf32, #tpu.memory_space<hbm>> -> memref<423936xf32, #tpu.memory_space<hbm>>
    %dma_wait3A_172 = tpu.memref_slice %arg4[%mul3A_45] : memref<528384xf32, #tpu.memory_space<vmem_shared>> -> memref<423936xf32, #tpu.memory_space<vmem_shared>>
    tpu.wait_dma2 semaphore(%arg6 : memref<!tpu.dma_semaphore, #tpu.memory_space<semaphore_mem>>) src(%dma_wait3A_172 : memref<423936xf32, #tpu.memory_space<vmem_shared>>) dst(%dma_wait3A : memref<423936xf32, #tpu.memory_space<hbm>>)
    %dma_wait3A_173 = tpu.memref_slice %arg3[%mul3A_57] : memref<50331648xf32, #tpu.memory_space<hbm>> -> memref<104448xf32, #tpu.memory_space<hbm>>
    %dma_wait3A_174 = arith.constant 417792 : i32
    %dma_wait3A_175 = tpu.memref_slice %arg4[%dma_wait3A_174] : memref<528384xf32, #tpu.memory_space<vmem_shared>> -> memref<104448xf32, #tpu.memory_space<vmem_shared>>
    tpu.wait_dma2 semaphore(%arg6 : memref<!tpu.dma_semaphore, #tpu.memory_space<semaphore_mem>>) src(%dma_wait3A_175 : memref<104448xf32, #tpu.memory_space<vmem_shared>>) dst(%dma_wait3A_173 : memref<104448xf32, #tpu.memory_space<hbm>>)
    %dma_wait3A_176 = tpu.memref_slice %arg3[%mul3A_65] : memref<50331648xf32, #tpu.memory_space<hbm>> -> memref<104448xf32, #tpu.memory_space<hbm>>
    %dma_wait3A_177 = arith.constant 417792 : i32
    %dma_wait3A_178 = tpu.memref_slice %arg4[%dma_wait3A_177] : memref<528384xf32, #tpu.memory_space<vmem_shared>> -> memref<104448xf32, #tpu.memory_space<vmem_shared>>
    tpu.wait_dma2 semaphore(%arg6 : memref<!tpu.dma_semaphore, #tpu.memory_space<semaphore_mem>>) src(%dma_wait3A_178 : memref<104448xf32, #tpu.memory_space<vmem_shared>>) dst(%dma_wait3A_176 : memref<104448xf32, #tpu.memory_space<hbm>>)
    %dma_wait3A_179 = tpu.memref_slice %arg3[%mul3A_73] : memref<50331648xf32, #tpu.memory_space<hbm>> -> memref<104448xf32, #tpu.memory_space<hbm>>
    %dma_wait3A_180 = arith.constant 417792 : i32
    %dma_wait3A_181 = tpu.memref_slice %arg4[%dma_wait3A_180] : memref<528384xf32, #tpu.memory_space<vmem_shared>> -> memref<104448xf32, #tpu.memory_space<vmem_shared>>
    tpu.wait_dma2 semaphore(%arg6 : memref<!tpu.dma_semaphore, #tpu.memory_space<semaphore_mem>>) src(%dma_wait3A_181 : memref<104448xf32, #tpu.memory_space<vmem_shared>>) dst(%dma_wait3A_179 : memref<104448xf32, #tpu.memory_space<hbm>>)
    %dma_wait3A_182 = tpu.memref_slice %arg3[%mul3A_81] : memref<50331648xf32, #tpu.memory_space<hbm>> -> memref<104448xf32, #tpu.memory_space<hbm>>
    %dma_wait3A_183 = arith.constant 417792 : i32
    %dma_wait3A_184 = tpu.memref_slice %arg4[%dma_wait3A_183] : memref<528384xf32, #tpu.memory_space<vmem_shared>> -> memref<104448xf32, #tpu.memory_space<vmem_shared>>
    tpu.wait_dma2 semaphore(%arg6 : memref<!tpu.dma_semaphore, #tpu.memory_space<semaphore_mem>>) src(%dma_wait3A_184 : memref<104448xf32, #tpu.memory_space<vmem_shared>>) dst(%dma_wait3A_182 : memref<104448xf32, #tpu.memory_space<hbm>>)
    %dma_wait3A_185 = tpu.memref_slice %arg3[%mul3A_89] : memref<50331648xf32, #tpu.memory_space<hbm>> -> memref<104448xf32, #tpu.memory_space<hbm>>
    %dma_wait3A_186 = arith.constant 417792 : i32
    %dma_wait3A_187 = tpu.memref_slice %arg4[%dma_wait3A_186] : memref<528384xf32, #tpu.memory_space<vmem_shared>> -> memref<104448xf32, #tpu.memory_space<vmem_shared>>
    tpu.wait_dma2 semaphore(%arg6 : memref<!tpu.dma_semaphore, #tpu.memory_space<semaphore_mem>>) src(%dma_wait3A_187 : memref<104448xf32, #tpu.memory_space<vmem_shared>>) dst(%dma_wait3A_185 : memref<104448xf32, #tpu.memory_space<hbm>>)
    %dma_wait3A_188 = tpu.memref_slice %arg3[%mul3A_97] : memref<50331648xf32, #tpu.memory_space<hbm>> -> memref<104448xf32, #tpu.memory_space<hbm>>
    %dma_wait3A_189 = arith.constant 417792 : i32
    %dma_wait3A_190 = tpu.memref_slice %arg4[%dma_wait3A_189] : memref<528384xf32, #tpu.memory_space<vmem_shared>> -> memref<104448xf32, #tpu.memory_space<vmem_shared>>
    tpu.wait_dma2 semaphore(%arg6 : memref<!tpu.dma_semaphore, #tpu.memory_space<semaphore_mem>>) src(%dma_wait3A_190 : memref<104448xf32, #tpu.memory_space<vmem_shared>>) dst(%dma_wait3A_188 : memref<104448xf32, #tpu.memory_space<hbm>>)
    %dma_wait3A_191 = tpu.memref_slice %arg3[%mul3A_105] : memref<50331648xf32, #tpu.memory_space<hbm>> -> memref<104448xf32, #tpu.memory_space<hbm>>
    %dma_wait3A_192 = arith.constant 417792 : i32
    %dma_wait3A_193 = tpu.memref_slice %arg4[%dma_wait3A_192] : memref<528384xf32, #tpu.memory_space<vmem_shared>> -> memref<104448xf32, #tpu.memory_space<vmem_shared>>
    tpu.wait_dma2 semaphore(%arg6 : memref<!tpu.dma_semaphore, #tpu.memory_space<semaphore_mem>>) src(%dma_wait3A_193 : memref<104448xf32, #tpu.memory_space<vmem_shared>>) dst(%dma_wait3A_191 : memref<104448xf32, #tpu.memory_space<hbm>>)
    %dma_wait3A_194 = tpu.memref_slice %arg3[%mul3A_113] : memref<50331648xf32, #tpu.memory_space<hbm>> -> memref<104448xf32, #tpu.memory_space<hbm>>
    %dma_wait3A_195 = arith.constant 417792 : i32
    %dma_wait3A_196 = tpu.memref_slice %arg4[%dma_wait3A_195] : memref<528384xf32, #tpu.memory_space<vmem_shared>> -> memref<104448xf32, #tpu.memory_space<vmem_shared>>
    tpu.wait_dma2 semaphore(%arg6 : memref<!tpu.dma_semaphore, #tpu.memory_space<semaphore_mem>>) src(%dma_wait3A_196 : memref<104448xf32, #tpu.memory_space<vmem_shared>>) dst(%dma_wait3A_194 : memref<104448xf32, #tpu.memory_space<hbm>>)
    %dma_wait3A_197 = tpu.memref_slice %arg3[%mul3A_121] : memref<50331648xf32, #tpu.memory_space<hbm>> -> memref<104448xf32, #tpu.memory_space<hbm>>
    %dma_wait3A_198 = arith.constant 417792 : i32
    %dma_wait3A_199 = tpu.memref_slice %arg4[%dma_wait3A_198] : memref<528384xf32, #tpu.memory_space<vmem_shared>> -> memref<104448xf32, #tpu.memory_space<vmem_shared>>
    tpu.wait_dma2 semaphore(%arg6 : memref<!tpu.dma_semaphore, #tpu.memory_space<semaphore_mem>>) src(%dma_wait3A_199 : memref<104448xf32, #tpu.memory_space<vmem_shared>>) dst(%dma_wait3A_197 : memref<104448xf32, #tpu.memory_space<hbm>>)
    %dma_wait3A_200 = tpu.memref_slice %arg3[%mul3A_129] : memref<50331648xf32, #tpu.memory_space<hbm>> -> memref<104448xf32, #tpu.memory_space<hbm>>
    %dma_wait3A_201 = arith.constant 417792 : i32
    %dma_wait3A_202 = tpu.memref_slice %arg4[%dma_wait3A_201] : memref<528384xf32, #tpu.memory_space<vmem_shared>> -> memref<104448xf32, #tpu.memory_space<vmem_shared>>
    tpu.wait_dma2 semaphore(%arg6 : memref<!tpu.dma_semaphore, #tpu.memory_space<semaphore_mem>>) src(%dma_wait3A_202 : memref<104448xf32, #tpu.memory_space<vmem_shared>>) dst(%dma_wait3A_200 : memref<104448xf32, #tpu.memory_space<hbm>>)
    %dma_wait3A_203 = tpu.memref_slice %arg3[%mul3A_137] : memref<50331648xf32, #tpu.memory_space<hbm>> -> memref<104448xf32, #tpu.memory_space<hbm>>
    %dma_wait3A_204 = arith.constant 417792 : i32
    %dma_wait3A_205 = tpu.memref_slice %arg4[%dma_wait3A_204] : memref<528384xf32, #tpu.memory_space<vmem_shared>> -> memref<104448xf32, #tpu.memory_space<vmem_shared>>
    tpu.wait_dma2 semaphore(%arg6 : memref<!tpu.dma_semaphore, #tpu.memory_space<semaphore_mem>>) src(%dma_wait3A_205 : memref<104448xf32, #tpu.memory_space<vmem_shared>>) dst(%dma_wait3A_203 : memref<104448xf32, #tpu.memory_space<hbm>>)
    return
  }
}

</mosaic_0001>

<sc_bundles>
// kernel: kernel.3.cloned.1.call-start
scs
__scs_entry_jumppad:
0x0: {  	(pc) =	sbr.rel $0x88, $3  }
0x1: {  	(tag) =	ssettag $0x0;
	lr =	simm.s32 $0x1  }
0x2: {  	[smem:$0x3FA0] =	sst lr;
	_ =	strace $0xD0000000  }
0x3: {  	_ = 	snop  }
0x4: {  	_ = 	snop  }
0x5: {  	_ = 	snop  }
0x6: {  	_ = 	snop  }
0x7: {  	_ = 	snop  }
__scs_overlays_trampoline_lowered:
0x8: {  	[smem:$0x3FAF] =	sst s0  }
0x9: {  	[smem:$0x3FB0] =	sst s1  }
0xa: {  	[smem:$0x3FB1] =	sst s2  }
0xb: {  	[smem:$0x3FB2] =	sst s3  }
0xc: {  	[smem:$0x3FB3] =	sst s4  }
0xd: {  	[smem:$0x3FB4] =	sst s5  }
0xe: {  	[smem:$0x3FB5] =	sst s6  }
0xf: {  	[smem:$0x3FB6] =	sst s7  }
0x10: {  	[smem:$0x3FB7] =	sst s8  }
0x11: {  	[smem:$0x3FB8] =	sst s9;
	s0 =	simm.s32 @!p0 $0x0  }
0x12: {  	s1 =	sld [smem:$0x3F9E];
	s0 =	simm.s32 @p0 $0x1  }
0x13: {  	[smem:$0x3FB9] =	sst s0;
	s0 =	simm.s32 @!p1 $0x0  }
0x14: {  	s2 =	sld [smem:$0x3F9D];
	s0 =	simm.s32 @p1 $0x1  }
0x15: {  	[smem:$0x3FBA] =	sst s0;
	s0 =	simm.s32 @!p2 $0x0  }
0x16: {  	s3 =	sld [smem:$0x3FDB];
	s0 =	simm.s32 @p2 $0x1  }
0x17: {  	s4 =	simm.s32 $0x1BF5;
	[smem:$0x3FBC] =	sst s0  }
0x18: {  	s0 =	sld [smem:$0x3F9F];
	_ =	swait.ge [sflag:s4], $0x0  }
0x19: {  	s7 =	sld [smem:$0x3FA0]  }
0x1a: {  	s8 =	sadd.s32 $0xFFFFE003, lr  }
0x1b: {  	s9 =	sadd.s32 $0xFFFFFEF7, lr;
	s5 =	simm.s32 $0xFFFFFFFF;
	p2 =	slt.u32 s8, $0xFFFFF086  }
0x1c: {  	p1 =	slt.u32 s9, $0xF7A;
	s5 =	simm.s32 @!p2 $0x0  }
0x1d: {  	s5 =	simm.s32 @p1 $0x1;
	p0 =	seq.s32 s7, s2  }
0x1e: {  	s7 =	smul.u32 @!p0 $0xF7A, s2;
	p2 =	seq.s32 @!p0 s5, $0x0  }
0x1f: {  	s9 =	smul.u32 $0xF7A, s1;
	s8 =	simm.s32 @!p0 $0x1BF5;
	p2 =	por !p2, p0  }
0x20: {  	[sflag:s8] =	ssyncset.s32 @!p0 $0xFFFFF086;
	s6 =	sadd.s32 @!p0 s3, s7;
	s7 =	simm.s32 @!p0 $0x108  }
0x21: {  	s3 =	sadd.s32 s3, s9;
	s6 =	sadd.s32 @!p0 $0x88, s6;
	s7 =	simm.s32 @p2 $0x1082  }
0x22: {  	[simem:s7], [sflag:s8] =	dma.local @!p0 [hbm:s6], $0xF7A  }
0x23: {  	s9 =	sor.u32 $0xD0000000, s2;
	s6 =	simm.s32 $0x108;
	_ =	swait.ge @!p0 [sflag:s8], $0x0  }
0x24: {  	s3 =	sadd.s32 $0x88, s3;
	s6 =	simm.s32 @!p1 $0x1082;
	[sflag:s4] =	ssyncset.s32 $0xFFFFF086  }
0x25: {  	[simem:s6], [sflag:s4] =	dma.local [hbm:s3], $0xF7A  }
0x26: {  	[smem:$0x3FA0] =	sst s1;
	(tag) =	ssettag s2;
	_ =	strace s9  }
0x27: {  	s1 =	sld [smem:$0x3FB0]  }
0x28: {  	s2 =	sld [smem:$0x3FB1]  }
0x29: {  	s4 =	sld [smem:$0x3FB3]  }
0x2a: {  	p0 =	seq.s32 s5, $0x0;
	s5 =	sld [smem:$0x3FB4]  }
0x2b: {  	s6 =	sld [smem:$0x3FB5]  }
0x2c: {  	s7 =	sld [smem:$0x3FB6]  }
0x2d: {  	s3 =	simm.s32 $0x108;
	s8 =	sld [smem:$0x3FB7]  }
0x2e: {  	s3 =	simm.s32 @!p0 $0x1082;
	s9 =	sld [smem:$0x3FB8]  }
0x2f: {  	lr =	sadd.s32 s0, s3;
	s0 =	sld [smem:$0x3FAF]  }
0x30: {  	s3 =	sld [smem:$0x3FB2]  }
0x31: {  	[smem:$0x3FBB] =	sst s10  }
0x32: {  	s10 =	sld [smem:$0x3FB9];
	_ =	sdelay $0x3  }
0x33: {  	p0 =	seq.s32 s10, $0x1;
	s10 =	sld [smem:$0x3FBB];
	_ =	sdelay $0x3  }
0x34: {  	[smem:$0x3FBB] =	sst s10  }
0x35: {  	s10 =	sld [smem:$0x3FBA];
	_ =	sdelay $0x3  }
0x36: {  	p1 =	seq.s32 s10, $0x1;
	s10 =	sld [smem:$0x3FBB];
	_ =	sdelay $0x3  }
0x37: {  	[smem:$0x3FBB] =	sst s10  }
0x38: {  	s10 =	sld [smem:$0x3FBC]  }
0x39: {  	_ = 	snop;
	(pc) =	sbr.ind lr, $3  }
0x3a: {  	_ = 	snop  }
0x3b: {  	_ = 	snop  }
0x3c: {  	p2 =	seq.s32 s10, $0x1;
	s10 =	sld [smem:$0x3FBB]  }
0x3d: {  	_ =	shalt  }
0x3e: {  	_ =	shalt  }
0x3f: {  	_ =	shalt  }
0x40: {  	_ =	shalt  }
0x41: {  	_ =	shalt  }
0x42: {  	_ =	shalt  }
0x43: {  	_ =	shalt  }
0x44: {  	_ =	shalt  }
0x45: {  	_ =	shalt  }
0x46: {  	_ =	shalt  }
0x47: {  	_ =	shalt  }
0x48: {  	_ =	shalt  }
0x49: {  	_ =	shalt  }
0x4a: {  	_ =	shalt  }
0x4b: {  	_ =	shalt  }
0x4c: {  	_ =	shalt  }
0x4d: {  	_ =	shalt  }
0x4e: {  	_ =	shalt  }
0x4f: {  	_ =	shalt  }
0x50: {  	_ =	shalt  }
0x51: {  	_ =	shalt  }
0x52: {  	_ =	shalt  }
0x53: {  	_ =	shalt  }
0x54: {  	_ =	shalt  }
0x55: {  	_ =	shalt  }
0x56: {  	_ =	shalt  }
0x57: {  	_ =	shalt  }
0x58: {  	_ =	shalt  }
0x59: {  	_ =	shalt  }
0x5a: {  	_ =	shalt  }
0x5b: {  	_ =	shalt  }
0x5c: {  	_ =	shalt  }
0x5d: {  	_ =	shalt  }
0x5e: {  	_ =	shalt  }
0x5f: {  	_ =	shalt  }
0x60: {  	_ =	shalt  }
0x61: {  	_ =	shalt  }
0x62: {  	_ =	shalt  }
0x63: {  	_ =	shalt  }
0x64: {  	_ =	shalt  }
0x65: {  	_ =	shalt  }
0x66: {  	_ =	shalt  }
0x67: {  	_ =	shalt  }
0x68: {  	_ =	shalt  }
0x69: {  	_ =	shalt  }
0x6a: {  	_ =	shalt  }
0x6b: {  	_ =	shalt  }
0x6c: {  	_ =	shalt  }
0x6d: {  	_ =	shalt  }
0x6e: {  	_ =	shalt  }
0x6f: {  	_ =	shalt  }
0x70: {  	_ =	shalt  }
0x71: {  	_ =	shalt  }
0x72: {  	_ =	shalt  }
0x73: {  	_ =	shalt  }
0x74: {  	_ =	shalt  }
0x75: {  	_ =	shalt  }
0x76: {  	_ =	shalt  }
0x77: {  	_ =	shalt  }
0x78: {  	_ =	shalt  }
0x79: {  	_ =	shalt  }
0x7a: {  	_ =	shalt  }
0x7b: {  	_ =	shalt  }
0x7c: {  	_ =	shalt  }
0x7d: {  	_ =	shalt  }
0x7e: {  	_ =	shalt  }
0x7f: {  	_ =	shalt  }
0x80: {  	_ =	shalt  }
0x81: {  	_ =	shalt  }
0x82: {  	_ =	shalt  }
0x83: {  	_ =	shalt  }
0x84: {  	_ =	shalt  }
0x85: {  	_ =	shalt  }
0x86: {  	_ =	shalt  }
0x87: {  	_ =	shalt  }
.Lfunc_end0:
.L_simem_size_0:
called_computation_lowered:
.L_overlay_start_0:
0x88: {  	s2 =	sld [smem:$0x3FD9]  }
0x89: {  	s3 =	sld [smem:$0x3FFE];
	_ =	sdelay $0x1  }
0x8a: {  	s1 =	srdreg.scid  }
0x8b: {  	s0 =	sand.u32 $0x1, s1  }
0x8c: {  	s17 =	sshll.u32 s0, $0xA;
	s2 =	sadd.s32 s3, s2  }
0x8d: {  	s2 =	sadd.s32 s2, s17  }
0x8e: {  	[smem:$0x3FC7] =	sst s2  }
0x8f: {  	_ = 	snop  }
0x90: {  	s2 =	sld [smem:$0x3FD0];
	(tm) =	ssettm $0x1  }
0x91: {  	s18 =	sld [smem:$0x3FFB];
	_ =	sdelay $0x3  }
0x92: {  	_ =	strace s18  }
0x93: {  	s3 =	sld [smem:$0x3FFC];
	_ =	sdelay $0x3  }
0x94: {  	_ =	strace s3  }
0x95: {  	s3 =	sld [smem:$0x3FFD];
	_ =	sdelay $0x3  }
0x96: {  	_ =	strace s3  }
0x97: {  	_ =	strace $0x8FFFFFFF  }
0x98: {  	s19 =	sld [smem:$0x3FDB];
	_ =	sdelay $0x1  }
0x99: {  	s4 =	simm.s32 $_scs_section_size  }
0x9a: {  	s5 =	simm.s32 $_size__tile_overlayer_lowered;
	s6 =	simm.s32 $_tile_overlayer_lowered  }
0x9b: {  	s22 =	simm.s32 $0x1BFF;
	s21 =	sshll.u32 s6, $0x1;
	s3 =	sadd.s32 s4, s19  }
0x9c: {  	s7 =	simm.s32 $0x0;
	s20 =	sshll.u32 s5, $0x1;
	s5 =	sadd.s32 s21, s3  }
0x9d: {  	[timem:s7], [sflag:s22] =	dma.local [hbm:s5], s20  }
0x9e: {  	_ =	swait.ge [sflag:s22], s20  }
0x9f: {  	s4 =	ssub.s32 $0x0, s20;
	[sflag:s22] =	ssyncset.done $0x0  }
0xa0: {  	[sflag:s22] =	ssyncadd.s32 s4;
	_ =	sdelay $0x1  }
0xa1: {  	s23 =	simm.s32 $0x1B8B  }
0xa2: {  	_ =	swait.ge [sflag:s23], $0x1  }
0xa3: {  	[sflag:s23] =	ssyncset.done $0x0  }
0xa4: {  	s25 =	simm.s32 $0x1B8E;
	s24 =	sld [smem:$0x3FFE];
	[sflag:s23] =	ssyncadd.s32 $0xFFFFFFFF  }
0xa5: {  	s26 =	simm.s32 $execute0_lowered;
	[smem:$0x3FD2] =	sst s25  }
0xa6: {  	s5 =	sshll.u32 s26, $0x1;
	_ =	strace $0x80000046;
	[dreg:$0x1] =	wrdreg $0xFFFFFFFF  }
0xa7: {  	s28 =	simm.s32 $_size_execute0_lowered;
	s3 =	sadd.s32 s3, s5;
	[dreg:$0x0] =	wrdreg $0x0  }
0xa8: {  	s5 =	sshll.u32 s28, $0x1;
	[dreg:$0x2] =	wrdreg s3  }
0xa9: {  	[dreg:$0x3] =	wrdreg s5  }
0xaa: {  	[dreg:$0x4] =	wrdreg $0xC0  }
0xab: {  	_ =	task [dreg:s7], $0x5FFFF  }
0xac: {  	[dreg:$0x1] =	wrdreg $0xFFFFFFFF  }
0xad: {  	[dreg:$0x0] =	wrdreg $0x60  }
0xae: {  	[dreg:$0x2] =	wrdreg s2  }
0xaf: {  	[dreg:$0x3] =	wrdreg s24  }
0xb0: {  	[dreg:$0x4] =	wrdreg $0x0  }
0xb1: {  	[dreg:$0x5] =	wrdreg $0x9  }
0xb2: {  	_ =	task.clear_ibuf [dreg:s7], $0x6FFFF;
	_ =	strace $0x90000046  }
0xb3: {  	s29 =	simm.s32 $0x9;
	_ =	strace $0x80000048  }
0xb4: {  	_ =	swait.ge [sflag:s29], $0x1  }
0xb5: {  	[sflag:s29] =	ssyncadd.s32 $0xFFFFFFFF  }
0xb6: {  	_ =	strace $0x90000048  }
0xb7: {  	_ =	sfence  }
0xb8: {  	s30 =	sld [smem:$0x0];
	_ =	sdelay $0x2  }
0xb9: {  	s31 =	sshll.u32 s1, $0xD;
	s1 =	sshrl.u32 s1, $0x2  }
0xba: {  	s3 =	sand.u32 $0x4000, s31;
	s1 =	sadd.s32 s1, s30  }
0xbb: {  	s0 =	sor.u32 s3, s0;
	s1 =	sshll.u32 s1, $0x11  }
0xbc: {  	s0 =	sor.u32 s1, s0  }
0xbd: {  	s0 =	sadd.s32 $0x8F2B, s0  }
0xbe: {  	[sflag:s0] =	ssyncadd.remote.s32 $0x1  }
0xbf: {  	_ =	sfence.sel $0xFFFF  }
0xc0: {  	[dreg:$0x0] =	wrdreg $0xFFFFFFFF;
	(pc) =	sbr.abs _section_cstart, $3  }
0xc1: {  	[dreg:$0x1] =	wrdreg $0xFFFFFFFF  }
0xc2: {  	_ =	task.clear_ibuf [dreg:s7], $0x2FFFF;
	_ =	strace $0x9FFFFFFF  }
0xc3: {  	(tm) =	ssettm $0x7FFFFFFF  }
tec
execute0_lowered:
.L_overlay_start_1:
0x0: {  	(tag) =	ssettag $0x1  }
0x1: {  	s0 =	rddreg [dreg:$0x0]  }
0x2: {  	s4 =	rddreg [dreg:$0x1]  }
0x3: {  	s1 =	rddreg [dreg:$0x2];
	s2 =	simm.s32 $0x0;
	s3 =	srdreg.scid  }
0x4: {  	s10 =	simm.s32 $0x0;
	[smem:$0x7FF] =	sst s2;
	s18 =	sadd.s32 $0x18000, s0  }
0x5: {  	s19 =	sadd.s32 $0x16680, s0;
	_ =	strace $0x80000047;
	[dreg:$0x4] =	wrdreg s18  }
0x6: {  	s5 =	sand.u32 $0x1, s3;
	s20 =	sadd.s32 $0x14D00, s0;
	[dreg:$0x5] =	wrdreg s19  }
0x7: {  	s3 =	stileid.u32;
	s21 =	sadd.s32 $0x13380, s0;
	[dreg:$0x6] =	wrdreg s20  }
0x8: {  	s4 =	sadd.s32 $0x400, s4;
	s22 =	sadd.s32 $0x11A00, s0;
	[dreg:$0x7] =	wrdreg s21  }
0x9: {  	s9 =	sadd.s32 $0x10080, s0;
	s24 =	sadd.s32 $0xE700, s0;
	[dreg:$0x8] =	wrdreg s22  }
0xa: {  	s25 =	sadd.s32 $0xCD80, s0;
	s0 =	sadd.s32 $0xB400, s0;
	[dreg:$0x9] =	wrdreg s9  }
0xb: {  	s28 =	sadd.s32 $0x72C00, s1;
	s29 =	sadd.s32 $0x59400, s1;
	[dreg:$0xa] =	wrdreg s24  }
0xc: {  	s30 =	sadd.s32 $0x4C800, s1;
	s31 =	sadd.s32 $0x3FC00, s1;
	[dreg:$0xb] =	wrdreg s25  }
0xd: {  	s6 =	ssub.s32 $0x2, s5;
	s8 =	sshll.u32 s3, $0x1;
	[dreg:$0xc] =	wrdreg s0  }
0xe: {  	p0 =	sgt.s32 s3, $0x3;
	p1 =	sgt.s32 s3, $0x1;
	p2 =	seq.s32 s3, $0x0  }
0xf: {  	p6 =	sgt.s32 s3, $0x5;
	p3 =	seq.s32 s3, $0x4;
	s5 =	sor.u32 s5, s8  }
0x10: {  	p5 =	seq.s32 s3, $0x6;
	p4 =	seq.s32 s3, $0x8;
	s23 =	smul.u32 $0x180000, s5  }
0x11: {  	s7 =	sshrl.u32 s6, $0x1;
	s8 =	ssub.s32 $0x20, s5;
	s5 =	smul.u32 $0x30000, s5  }
0x12: {  	s9 =	simm.s32 $0x1;
	s6 =	ssub.s32 s6, s7;
	s8 =	smul.u32 $0xC00, s8  }
0x13: {  	s24 =	smax.u32 s6, $0x1;
	s6 =	sadd.s32 $0xCC00, s1;
	s7 =	sshrl.u32 s23, $0x3  }
0x14: {  	s13 =	sadd.s32 s4, s5;
	s5 =	sadd.s32 $0x19800, s1;
	s26 =	sshrl.u32 s8, $0x2  }
0x15: {  	s7 =	sadd.s32 s4, s7;
	s4 =	simm.s32 @!p2 $0x0;
	s8 =	simm.s32 $0x8100  }
0x16: {  	s0 =	sadd.s32 s26, s1;
	s14 =	sadd.s32 $0x10200, s7;
	s15 =	sadd.s32 $0x13500, s7  }
0x17: {  	s16 =	sadd.s32 $0x16800, s7;
	s4 =	simm.s32 @p2 $0x1;
	p2 =	seq.s32 s3, $0x1  }
0x18: {  	s17 =	sadd.s32 $0x19B00, s7;
	[smem:$0x7F8] =	sst s4;
	s4 =	simm.s32 @!p2 $0x0  }
0x19: {  	s18 =	sadd.s32 $0x1CE00, s7;
	s4 =	simm.s32 @p2 $0x1;
	p2 =	seq.s32 s3, $0x2  }
0x1a: {  	s19 =	sadd.s32 $0x20100, s7;
	[smem:$0x7F9] =	sst s4;
	s4 =	simm.s32 @!p2 $0x0  }
0x1b: {  	s20 =	sadd.s32 $0x23400, s7;
	s4 =	simm.s32 @p2 $0x1;
	p2 =	seq.s32 s3, $0x3  }
0x1c: {  	s21 =	sadd.s32 $0x26700, s7;
	[smem:$0x7FA] =	sst s4;
	s4 =	simm.s32 @!p2 $0x0  }
0x1d: {  	s22 =	sadd.s32 $0x29A00, s7;
	s4 =	simm.s32 @p2 $0x1;
	p2 =	seq.s32 s3, $0x5  }
.Ltmp0:
0x1e: {  	s25 =	sshrl.u32 s0, $0x3;
	s0 =	simm.s32 @!p2 $0x0;
	(pc) =	sbr.rel .LBB2_1-.Ltmp0, $4  }
0x1f: {  	s23 =	sadd.s32 $0x2CD00, s7;
	s26 =	sadd.s32 $0x66000, s1;
	s0 =	simm.s32 @p2 $0x1  }
0x20: {  	s7 =	sadd.s32 $0xCF00, s13;
	[smem:$0x7FC] =	sst s0;
	s0 =	simm.s32 @!p4 $0x0  }
0x21: {  	[smem:$0x7FB] =	sst s4;
	s4 =	sadd.s32 $0x26400, s1;
	s0 =	simm.s32 @p4 $0x1  }
0x22: {  	p2 =	seq.s32 s3, $0x7;
	[smem:$0x7FD] =	sst s0;
	s0 =	sadd.s32 $0x33000, s1  }
.LBB2_20:
0x23: {  	s11 =	rddreg [dreg:$0xa]  }
0x24: {  	[tilespmem:s8], [sflag:$0x1] =	stream.linear.gather [hbm4b:s11+s2], $0xCC00, $0x38;
	[tilespmem:$0x14D00] =	vst v63  }
0x25: {  	s11 =	smov.u32 s5  }
.LBB2_24:
0x26: {  	_ =	swait.ge [sflag:s9], $0xCC00  }
0x27: {  	[sflag:s9] =	ssyncset.done $0x0  }
0x28: {  	[sflag:s9] =	ssyncadd.s32 $0xFFFF3400  }
0x29: {  	[spmem:s11] =	stream.linear.scatter [tilespmem:s8], [sflag:$0x1], $0xCC00, $0x38;
	[tilespmem:$0x14D00] =	vst v63  }
0x2a: {  	_ =	swait.ge [sflag:s9], $0xCC00  }
0x2b: {  	[sflag:s9] =	ssyncset.done $0x0  }
0x2c: {  	[sflag:s9] =	ssyncadd.s32 $0xFFFF3400  }
.LBB2_25:
0x2d: {  	s11 =	sshll.u32 s3, $0x6  }
0x2e: {  	[bflag:$0x0] =	sbarrier.arrive $0xFFFF;
	s12 =	sshrl.u32 s26, $0x3;
	s11 =	sor.u32 $0x1C01, s11  }
0x2f: {  	[hbm:s13], [sflag:s11] =	dma.local [spmem:s25], $0xCF00  }
0x30: {  	[hbm:s7], [sflag:s11] =	dma.local [spmem:s12], $0x3300  }
0x31: {  	[hbm:s14], [sflag:s11] =	dma.local [spmem:s12], $0x3300  }
0x32: {  	[hbm:s15], [sflag:s11] =	dma.local [spmem:s12], $0x3300  }
0x33: {  	[hbm:s16], [sflag:s11] =	dma.local [spmem:s12], $0x3300  }
0x34: {  	[hbm:s17], [sflag:s11] =	dma.local [spmem:s12], $0x3300  }
0x35: {  	[hbm:s18], [sflag:s11] =	dma.local [spmem:s12], $0x3300  }
0x36: {  	[hbm:s19], [sflag:s11] =	dma.local [spmem:s12], $0x3300  }
0x37: {  	[hbm:s20], [sflag:s11] =	dma.local [spmem:s12], $0x3300  }
0x38: {  	[hbm:s21], [sflag:s11] =	dma.local [spmem:s12], $0x3300  }
0x39: {  	[hbm:s22], [sflag:s11] =	dma.local [spmem:s12], $0x3300  }
0x3a: {  	[hbm:s23], [sflag:s11] =	dma.local [spmem:s12], $0x3300  }
0x3b: {  	_ =	swait.ge [sflag:s9], $0xCF00  }
0x3c: {  	[sflag:s9] =	ssyncset.done $0x0  }
0x3d: {  	[sflag:s9] =	ssyncadd.s32 $0xFFFF3100  }
0x3e: {  	_ =	swait.ge [sflag:s9], $0x3300  }
0x3f: {  	[sflag:s9] =	ssyncset.done $0x0  }
0x40: {  	[sflag:s9] =	ssyncadd.s32 $0xFFFFCD00  }
0x41: {  	_ =	swait.ge [sflag:s9], $0x3300  }
0x42: {  	[sflag:s9] =	ssyncset.done $0x0  }
0x43: {  	[sflag:s9] =	ssyncadd.s32 $0xFFFFCD00  }
0x44: {  	_ =	swait.ge [sflag:s9], $0x3300  }
0x45: {  	[sflag:s9] =	ssyncset.done $0x0  }
0x46: {  	[sflag:s9] =	ssyncadd.s32 $0xFFFFCD00  }
0x47: {  	_ =	swait.ge [sflag:s9], $0x3300  }
0x48: {  	[sflag:s9] =	ssyncset.done $0x0  }
0x49: {  	[sflag:s9] =	ssyncadd.s32 $0xFFFFCD00  }
0x4a: {  	_ =	swait.ge [sflag:s9], $0x3300  }
0x4b: {  	[sflag:s9] =	ssyncset.done $0x0  }
0x4c: {  	[sflag:s9] =	ssyncadd.s32 $0xFFFFCD00  }
0x4d: {  	_ =	swait.ge [sflag:s9], $0x3300  }
0x4e: {  	[sflag:s9] =	ssyncset.done $0x0  }
0x4f: {  	[sflag:s9] =	ssyncadd.s32 $0xFFFFCD00  }
0x50: {  	_ =	swait.ge [sflag:s9], $0x3300  }
0x51: {  	[sflag:s9] =	ssyncset.done $0x0  }
0x52: {  	[sflag:s9] =	ssyncadd.s32 $0xFFFFCD00  }
0x53: {  	_ =	swait.ge [sflag:s9], $0x3300  }
0x54: {  	[sflag:s9] =	ssyncset.done $0x0  }
0x55: {  	[sflag:s9] =	ssyncadd.s32 $0xFFFFCD00  }
0x56: {  	_ =	swait.ge [sflag:s9], $0x3300  }
0x57: {  	[sflag:s9] =	ssyncset.done $0x0  }
0x58: {  	s10 =	sadd.s32 $0x1, s10;
	[sflag:s9] =	ssyncadd.s32 $0xFFFFCD00  }
0x59: {  	p4 =	sne.s32 s10, s24;
	_ =	swait.ge [sflag:s9], $0x3300  }
.Ltmp1:
0x5a: {  	[sflag:s9] =	ssyncset.done $0x0;
	(pc) =	sbr.rel @!p4 .LBB2_26-.Ltmp1, $4  }
0x5b: {  	[sflag:s9] =	ssyncadd.s32 $0xFFFFCD00  }
0x5c: {  	_ =	swait.ge [sflag:s9], $0x3300  }
0x5d: {  	[sflag:s9] =	ssyncset.done $0x0  }
0x5e: {  	[sflag:s9] =	ssyncadd.s32 $0xFFFFCD00  }
.LBB2_1:
.Ltmp2:
0x5f: {  	(pc) =	sbr.rel @!p0 .LBB2_2-.Ltmp2, $1  }
0x60: {  	_ =	sdelay $0x3  }
.Ltmp3:
0x61: {  	(pc) =	sbr.rel @!p6 .LBB2_10-.Ltmp3, $1  }
0x62: {  	_ =	sdelay $0x3  }
.Ltmp4:
0x63: {  	(pc) =	sbr.rel @p5 .LBB2_22-.Ltmp4, $1  }
0x64: {  	_ =	sdelay $0x3  }
.Ltmp5:
0x65: {  	(pc) =	sbr.rel @p2 .LBB2_23-.Ltmp5, $1  }
0x66: {  	_ =	sdelay $0x3  }
0x67: {  	s11 =	sld [smem:$0x7FD];
	_ =	sdelay $0x2  }
0x68: {  	p4 =	seq.s32 s11, $0x1  }
.Ltmp6:
0x69: {  	_ = 	snop;
	(pc) =	sbr.rel @!p4 .LBB2_25-.Ltmp6, $1  }
0x6a: {  	_ =	sdelay $0x3  }
0x6b: {  	s11 =	rddreg [dreg:$0x4]  }
0x6c: {  	[tilespmem:s8], [sflag:$0x1] =	stream.linear.gather [hbm4b:s11+s2], $0x1800, $0x38;
	[tilespmem:$0x14D00] =	vst v63  }
0x6d: {  	_ =	swait.ge [sflag:s9], $0x1800  }
0x6e: {  	[sflag:s9] =	ssyncset.done $0x0  }
0x6f: {  	[sflag:s9] =	ssyncadd.s32 $0xFFFFE800  }
0x70: {  	v0 =	vld [tilespmem:$0x8100]  }
0x71: {  	v1 =	vld [tilespmem:$0x8110]  }
0x72: {  	v2 =	vld [tilespmem:$0x8120]  }
0x73: {  	v3 =	vld [tilespmem:$0x8130]  }
0x74: {  	v4 =	vld [tilespmem:$0x8140]  }
0x75: {  	v5 =	vld [tilespmem:$0x8150]  }
0x76: {  	v6 =	vld [tilespmem:$0x8160]  }
0x77: {  	v7 =	vld [tilespmem:$0x8170]  }
0x78: {  	v8 =	vld [tilespmem:$0x8180]  }
0x79: {  	v9 =	vld [tilespmem:$0x8190]  }
0x7a: {  	v10 =	vld [tilespmem:$0x81A0]  }
0x7b: {  	v11 =	vld [tilespmem:$0x81B0]  }
0x7c: {  	v12 =	vld [tilespmem:$0x81C0]  }
0x7d: {  	v13 =	vld [tilespmem:$0x81D0]  }
0x7e: {  	v14 =	vld [tilespmem:$0x81E0]  }
0x7f: {  	v15 =	vld [tilespmem:$0x81F0]  }
0x80: {  	v16 =	vld [tilespmem:$0x8200]  }
0x81: {  	v17 =	vld [tilespmem:$0x8210]  }
0x82: {  	v18 =	vld [tilespmem:$0x8220]  }
0x83: {  	v19 =	vld [tilespmem:$0x8230]  }
0x84: {  	v20 =	vld [tilespmem:$0x8240]  }
0x85: {  	v21 =	vld [tilespmem:$0x8250]  }
0x86: {  	v22 =	vld [tilespmem:$0x8260]  }
0x87: {  	v23 =	vld [tilespmem:$0x8270]  }
0x88: {  	v24 =	vld [tilespmem:$0x8280]  }
0x89: {  	v25 =	vld [tilespmem:$0x8290]  }
0x8a: {  	v26 =	vld [tilespmem:$0x82A0]  }
0x8b: {  	v27 =	vld [tilespmem:$0x82B0]  }
0x8c: {  	v28 =	vld [tilespmem:$0x82C0]  }
0x8d: {  	v29 =	vld [tilespmem:$0x82D0]  }
0x8e: {  	v30 =	vld [tilespmem:$0x82E0]  }
0x8f: {  	v31 =	vld [tilespmem:$0x82F0]  }
0x90: {  	v32 =	vld [tilespmem:$0x8300]  }
0x91: {  	v33 =	vld [tilespmem:$0x8310]  }
0x92: {  	v34 =	vld [tilespmem:$0x8320]  }
0x93: {  	v35 =	vld [tilespmem:$0x8330]  }
0x94: {  	v36 =	vld [tilespmem:$0x8340]  }
0x95: {  	v37 =	vld [tilespmem:$0x8350]  }
0x96: {  	v38 =	vld [tilespmem:$0x8360]  }
0x97: {  	v39 =	vld [tilespmem:$0x8370]  }
0x98: {  	v40 =	vld [tilespmem:$0x8380]  }
0x99: {  	v41 =	vld [tilespmem:$0x8390]  }
0x9a: {  	v42 =	vld [tilespmem:$0x83A0]  }
0x9b: {  	v47 =	vld [tilespmem:$0x83F0]  }
0x9c: {  	v43 =	vld [tilespmem:$0x83B0]  }
0x9d: {  	v44 =	vld [tilespmem:$0x83C0]  }
0x9e: {  	v45 =	vld [tilespmem:$0x83D0]  }
0x9f: {  	s12 =	simm.s32 $0x23C0;
	s11 =	simm.s32 $0x5F0;
	v46 =	vld [tilespmem:$0x83E0]  }
.LBB2_17:
0xa0: {  	p4 =	sne.s32 s12, $0x32FC0;
	[tilespmem:s11+$0x8100] =	vst v47  }
0xa1: {  	[tilespmem:s11+$0x7E10] =	vst v0  }
0xa2: {  	[tilespmem:s11+$0x7E20] =	vst v1  }
0xa3: {  	[tilespmem:s11+$0x7E30] =	vst v2  }
0xa4: {  	[tilespmem:s11+$0x7E40] =	vst v3  }
0xa5: {  	[tilespmem:s11+$0x7E50] =	vst v4  }
0xa6: {  	[tilespmem:s11+$0x7E60] =	vst v5  }
0xa7: {  	[tilespmem:s11+$0x7E70] =	vst v6  }
0xa8: {  	[tilespmem:s11+$0x7E80] =	vst v7  }
0xa9: {  	[tilespmem:s11+$0x7E90] =	vst v8  }
0xaa: {  	[tilespmem:s11+$0x7EA0] =	vst v9  }
0xab: {  	[tilespmem:s11+$0x7EB0] =	vst v10  }
0xac: {  	[tilespmem:s11+$0x7EC0] =	vst v11  }
0xad: {  	[tilespmem:s11+$0x7ED0] =	vst v12  }
0xae: {  	[tilespmem:s11+$0x7EE0] =	vst v13  }
0xaf: {  	[tilespmem:s11+$0x7EF0] =	vst v14  }
0xb0: {  	[tilespmem:s11+$0x7F00] =	vst v15  }
0xb1: {  	[tilespmem:s11+$0x7F10] =	vst v16  }
0xb2: {  	[tilespmem:s11+$0x7F20] =	vst v17  }
0xb3: {  	[tilespmem:s11+$0x7F30] =	vst v18  }
0xb4: {  	[tilespmem:s11+$0x7F40] =	vst v19  }
0xb5: {  	[tilespmem:s11+$0x7F50] =	vst v20  }
0xb6: {  	[tilespmem:s11+$0x7F60] =	vst v21  }
0xb7: {  	[tilespmem:s11+$0x7F70] =	vst v22  }
0xb8: {  	[tilespmem:s11+$0x7F80] =	vst v23  }
0xb9: {  	[tilespmem:s11+$0x7F90] =	vst v24  }
0xba: {  	[tilespmem:s11+$0x7FA0] =	vst v25  }
0xbb: {  	[tilespmem:s11+$0x7FB0] =	vst v26  }
0xbc: {  	[tilespmem:s11+$0x7FC0] =	vst v27  }
0xbd: {  	[tilespmem:s11+$0x7FD0] =	vst v28  }
0xbe: {  	[tilespmem:s11+$0x7FE0] =	vst v29  }
0xbf: {  	[tilespmem:s11+$0x7FF0] =	vst v30  }
0xc0: {  	[tilespmem:s11+$0x8000] =	vst v31  }
0xc1: {  	[tilespmem:s11+$0x8010] =	vst v32  }
0xc2: {  	[tilespmem:s11+$0x8020] =	vst v33  }
0xc3: {  	[tilespmem:s11+$0x8030] =	vst v34  }
0xc4: {  	[tilespmem:s11+$0x8040] =	vst v35  }
0xc5: {  	[tilespmem:s11+$0x8050] =	vst v36  }
0xc6: {  	[tilespmem:s11+$0x8060] =	vst v37  }
0xc7: {  	[tilespmem:s11+$0x8070] =	vst v38  }
0xc8: {  	[tilespmem:s11+$0x8080] =	vst v39  }
0xc9: {  	[tilespmem:s11+$0x8090] =	vst v40  }
0xca: {  	[tilespmem:s11+$0x80A0] =	vst v41  }
.Ltmp7:
0xcb: {  	[tilespmem:s11+$0x80B0] =	vst v42;
	(pc) =	sbr.rel @p4 .LBB2_17-.Ltmp7, $4  }
0xcc: {  	[tilespmem:s11+$0x80C0] =	vst v43  }
0xcd: {  	[tilespmem:s11+$0x80D0] =	vst v44  }
0xce: {  	[tilespmem:s11+$0x80E0] =	vst v45  }
0xcf: {  	[tilespmem:s11+$0x80F0] =	vst v46;
	s11 =	sshra.s32 s12, $0x2;
	s12 =	sadd.s32 $0xC00, s12  }
0xd0: {  	[tilespmem:s11+$0x8100] =	vst v47  }
0xd1: {  	[tilespmem:s11+$0x7E10] =	vst v0  }
0xd2: {  	[tilespmem:s11+$0x7E20] =	vst v1  }
0xd3: {  	[tilespmem:s11+$0x7E30] =	vst v2  }
0xd4: {  	[tilespmem:s11+$0x7E40] =	vst v3  }
0xd5: {  	[tilespmem:s11+$0x7E50] =	vst v4  }
0xd6: {  	[tilespmem:s11+$0x7E60] =	vst v5  }
0xd7: {  	[tilespmem:s11+$0x7E70] =	vst v6  }
0xd8: {  	[tilespmem:s11+$0x7E80] =	vst v7  }
0xd9: {  	[tilespmem:s11+$0x7E90] =	vst v8  }
0xda: {  	[tilespmem:s11+$0x7EA0] =	vst v9  }
0xdb: {  	[tilespmem:s11+$0x7EB0] =	vst v10  }
0xdc: {  	[tilespmem:s11+$0x7EC0] =	vst v11  }
0xdd: {  	[tilespmem:s11+$0x7ED0] =	vst v12  }
0xde: {  	[tilespmem:s11+$0x7EE0] =	vst v13  }
0xdf: {  	[tilespmem:s11+$0x7EF0] =	vst v14  }
0xe0: {  	[tilespmem:s11+$0x7F00] =	vst v15  }
0xe1: {  	[tilespmem:s11+$0x7F10] =	vst v16  }
0xe2: {  	[tilespmem:s11+$0x7F20] =	vst v17  }
0xe3: {  	[tilespmem:s11+$0x7F30] =	vst v18  }
0xe4: {  	[tilespmem:s11+$0x7F40] =	vst v19  }
0xe5: {  	[tilespmem:s11+$0x7F50] =	vst v20  }
0xe6: {  	[tilespmem:s11+$0x7F60] =	vst v21  }
0xe7: {  	[tilespmem:s11+$0x7F70] =	vst v22  }
0xe8: {  	[tilespmem:s11+$0x7F80] =	vst v23  }
0xe9: {  	[tilespmem:s11+$0x7F90] =	vst v24  }
0xea: {  	[tilespmem:s11+$0x7FA0] =	vst v25  }
0xeb: {  	[tilespmem:s11+$0x7FB0] =	vst v26  }
0xec: {  	[tilespmem:s11+$0x7FC0] =	vst v27  }
0xed: {  	[tilespmem:s11+$0x7FD0] =	vst v28  }
0xee: {  	[tilespmem:s11+$0x7FE0] =	vst v29  }
0xef: {  	[tilespmem:s11+$0x7FF0] =	vst v30  }
0xf0: {  	[tilespmem:s11+$0x8000] =	vst v31  }
0xf1: {  	[tilespmem:s11+$0x8010] =	vst v32  }
0xf2: {  	[tilespmem:s11+$0x8020] =	vst v33  }
0xf3: {  	[tilespmem:s11+$0x8030] =	vst v34  }
0xf4: {  	[tilespmem:s11+$0x8040] =	vst v35  }
0xf5: {  	[tilespmem:s11+$0x8050] =	vst v36  }
0xf6: {  	[tilespmem:s11+$0x8060] =	vst v37  }
0xf7: {  	[tilespmem:s11+$0x8070] =	vst v38  }
0xf8: {  	[tilespmem:s11+$0x8080] =	vst v39  }
0xf9: {  	[tilespmem:s11+$0x8090] =	vst v40  }
0xfa: {  	[tilespmem:s11+$0x80A0] =	vst v41  }
0xfb: {  	[tilespmem:s11+$0x80B0] =	vst v42  }
.Ltmp8:
0xfc: {  	[tilespmem:s11+$0x80C0] =	vst v43;
	(pc) =	sbr.rel .LBB2_24-.Ltmp8, $4  }
0xfd: {  	[tilespmem:s11+$0x80D0] =	vst v44  }
0xfe: {  	[tilespmem:s11+$0x80E0] =	vst v45  }
0xff: {  	[tilespmem:s11+$0x80F0] =	vst v46;
	s11 =	smov.u32 s28  }
0x100: {  	[spmem:s26] =	stream.linear.scatter [tilespmem:s8], [sflag:$0x1], $0xCC00, $0x38;
	[tilespmem:$0x14D00] =	vst v63  }
.LBB2_2:
.Ltmp9:
0x101: {  	(pc) =	sbr.rel @p1 .LBB2_6-.Ltmp9, $1  }
0x102: {  	_ =	sdelay $0x3  }
0x103: {  	s11 =	sld [smem:$0x7F8];
	_ =	sdelay $0x2  }
0x104: {  	p4 =	seq.s32 s11, $0x1  }
.Ltmp10:
0x105: {  	_ = 	snop;
	(pc) =	sbr.rel @p4 .LBB2_19-.Ltmp10, $1  }
0x106: {  	_ =	sdelay $0x3  }
0x107: {  	s11 =	sld [smem:$0x7F9];
	_ =	sdelay $0x2  }
0x108: {  	p4 =	seq.s32 s11, $0x1  }
.Ltmp11:
0x109: {  	_ = 	snop;
	(pc) =	sbr.rel @!p4 .LBB2_25-.Ltmp11, $1  }
0x10a: {  	_ =	sdelay $0x3  }
.Ltmp12:
0x10b: {  	(pc) =	sbr.rel .LBB2_24-.Ltmp12, $4  }
0x10c: {  	_ = 	snop  }
0x10d: {  	s11 =	rddreg [dreg:$0xb]  }
0x10e: {  	[tilespmem:s8], [sflag:$0x1] =	stream.linear.gather [hbm4b:s11+s2], $0xCC00, $0x38;
	[tilespmem:$0x14D00] =	vst v63  }
0x10f: {  	s11 =	smov.u32 s6  }
.LBB2_6:
0x110: {  	s11 =	sld [smem:$0x7FA];
	_ =	sdelay $0x2  }
0x111: {  	p4 =	seq.s32 s11, $0x1  }
.Ltmp13:
0x112: {  	_ = 	snop;
	(pc) =	sbr.rel @p4 .LBB2_20-.Ltmp13, $1  }
0x113: {  	_ =	sdelay $0x3  }
0x114: {  	s11 =	sld [smem:$0x7FB];
	_ =	sdelay $0x2  }
0x115: {  	p4 =	seq.s32 s11, $0x1  }
.Ltmp14:
0x116: {  	_ = 	snop;
	(pc) =	sbr.rel @!p4 .LBB2_25-.Ltmp14, $1  }
0x117: {  	_ =	sdelay $0x3  }
.Ltmp15:
0x118: {  	(pc) =	sbr.rel .LBB2_24-.Ltmp15, $4  }
0x119: {  	_ = 	snop  }
0x11a: {  	s11 =	rddreg [dreg:$0x9]  }
0x11b: {  	[tilespmem:s8], [sflag:$0x1] =	stream.linear.gather [hbm4b:s11+s2], $0xCC00, $0x38;
	[tilespmem:$0x14D00] =	vst v63  }
0x11c: {  	s11 =	smov.u32 s4  }
.LBB2_10:
.Ltmp16:
0x11d: {  	(pc) =	sbr.rel @p3 .LBB2_21-.Ltmp16, $1  }
0x11e: {  	_ =	sdelay $0x3  }
0x11f: {  	s11 =	sld [smem:$0x7FC];
	_ =	sdelay $0x2  }
0x120: {  	p4 =	seq.s32 s11, $0x1  }
.Ltmp17:
0x121: {  	_ = 	snop;
	(pc) =	sbr.rel @!p4 .LBB2_25-.Ltmp17, $1  }
0x122: {  	_ =	sdelay $0x3  }
.Ltmp18:
0x123: {  	(pc) =	sbr.rel .LBB2_24-.Ltmp18, $4  }
0x124: {  	_ = 	snop  }
0x125: {  	s11 =	rddreg [dreg:$0x7]  }
0x126: {  	[tilespmem:s8], [sflag:$0x1] =	stream.linear.gather [hbm4b:s11+s2], $0xCC00, $0x38;
	[tilespmem:$0x14D00] =	vst v63  }
0x127: {  	s11 =	smov.u32 s31  }
.LBB2_19:
.Ltmp19:
0x128: {  	(pc) =	sbr.rel .LBB2_24-.Ltmp19, $4  }
0x129: {  	_ = 	snop  }
0x12a: {  	s11 =	rddreg [dreg:$0xc]  }
0x12b: {  	[tilespmem:s8], [sflag:$0x1] =	stream.linear.gather [hbm4b:s11+s2], $0xCC00, $0x38;
	[tilespmem:$0x14D00] =	vst v63  }
0x12c: {  	s11 =	smov.u32 s1  }
.LBB2_22:
.Ltmp20:
0x12d: {  	(pc) =	sbr.rel .LBB2_24-.Ltmp20, $4  }
0x12e: {  	_ = 	snop  }
0x12f: {  	s11 =	rddreg [dreg:$0x6]  }
0x130: {  	[tilespmem:s8], [sflag:$0x1] =	stream.linear.gather [hbm4b:s11+s2], $0xCC00, $0x38;
	[tilespmem:$0x14D00] =	vst v63  }
0x131: {  	s11 =	smov.u32 s30  }
.LBB2_21:
.Ltmp21:
0x132: {  	(pc) =	sbr.rel .LBB2_24-.Ltmp21, $4  }
0x133: {  	_ = 	snop  }
0x134: {  	s11 =	rddreg [dreg:$0x8]  }
0x135: {  	[tilespmem:s8], [sflag:$0x1] =	stream.linear.gather [hbm4b:s11+s2], $0xCC00, $0x38;
	[tilespmem:$0x14D00] =	vst v63  }
0x136: {  	s11 =	smov.u32 s0  }
.LBB2_23:
.Ltmp22:
0x137: {  	(pc) =	sbr.rel .LBB2_24-.Ltmp22, $4  }
0x138: {  	_ = 	snop  }
0x139: {  	s11 =	rddreg [dreg:$0x5]  }
0x13a: {  	[tilespmem:s8], [sflag:$0x1] =	stream.linear.gather [hbm4b:s11+s2], $0xCC00, $0x38;
	[tilespmem:$0x14D00] =	vst v63  }
0x13b: {  	s11 =	smov.u32 s29  }
.LBB2_26:
0x13c: {  	_ =	sfence.sel $0x180000  }
0x13d: {  	[bflag:$0x0] =	sbarrier.arrive $0xFFFF  }
0x13e: {  	_ =	strace $0x90000047  }
0x13f: {  	[bflag:$0x2] =	sbarrier.arrive $0xFFFF  }
0x140: {  	p0 =	sne.s32 s3, $0x0;
	s0 =	rddreg [dreg:$0x3]  }
0x141: {  	s0 =	sadd.s32 @!p0 $0x100000, s0  }
0x142: {  	[sflag:s0] =	ssyncadd.tile.s32 @!p0 $0x1;
	_ =	shalt  }
.Lfunc_end2:
_tile_overlayer_lowered:
.L_overlay_start_2:
0x143: {  	(tag) =	ssettag $0x2  }
0x144: {  	s0 =	rddreg [dreg:$0x0];
	s2 =	stileid.u32  }
0x145: {  	s1 =	rddreg [dreg:$0x1];
	p0 =	sne.s32 s2, $0x0  }
0x146: {  	s3 =	rddreg [dreg:$0x2];
	[bflag:$0x3] =	sbarrier.arrive $0xFFFF;
	s2 =	simm.s32 @!p0 $0x1C02  }
0x147: {  	[timem:s3], [sflag:s2] =	dma.local @!p0 [hbm:s0], s1  }
0x148: {  	s0 =	simm.s32 @!p0 $0x2  }
0x149: {  	_ =	swait.ge @!p0 [sflag:s0], s1  }
0x14a: {  	s1 =	ssub.s32 @!p0 $0x0, s1;
	[sflag:s0] =	ssyncset.done @!p0 $0x0  }
0x14b: {  	[sflag:s0] =	ssyncadd.s32 @!p0 s1  }
0x14c: {  	[bflag:$0x3] =	sbarrier.arrive $0xFFFF  }
0x14d: {  	_ =	shalt  }

</sc_bundles>
